<compile_context>
chip_gen: v7x
topology: tpu7x:2x2x1
jax: 0.10.2.dev20260603
libtpu: 0.0.44.dev20260713+nightly
codegen_flags: <defaults>
</compile_context>

<pallas_src>
import functools

import jax
import jax.numpy as jnp
from jax import lax
from jax.experimental import pallas as pl
from jax.experimental.pallas import tpu as pltpu
from jax.experimental.pallas import tpu_sc as plsc

B = 2
N_IN = 327680
N_OUT = 81920
D = 64

ROWS = B * N_OUT
NW = 32
ROWS_PER_W = ROWS // NW
CHUNK = 512
NCHUNK = ROWS_PER_W // CHUNK
NBUF = 2


def _make_kernel():
    mesh = plsc.VectorSubcoreMesh(core_axis_name="c", subcore_axis_name="s")

    @functools.partial(
        pl.kernel,
        mesh=mesh,
        out_type=jax.ShapeDtypeStruct((ROWS, D), jnp.float32),
        scratch_types=(
            [pltpu.VMEM((CHUNK, D), jnp.float32) for _ in range(NBUF)]
            + [pltpu.SemaphoreType.DMA for _ in range(2 * NBUF)]
        ),
    )
    def k(x_hbm, out_hbm, buf0, buf1, isem0, isem1, osem0, osem1):
        bufs = (buf0, buf1)
        isems = (isem0, isem1)
        osems = (osem0, osem1)
        wid = lax.axis_index("s") * 2 + lax.axis_index("c")
        base = wid * ROWS_PER_W

        def in_copy(ci, slot):
            off = base + ci * CHUNK
            return pltpu.make_async_copy(
                x_hbm.at[pl.ds(off, CHUNK), 3], bufs[slot], isems[slot]
            )

        def out_copy(ci, slot):
            off = base + ci * CHUNK
            return pltpu.make_async_copy(
                bufs[slot], out_hbm.at[pl.ds(off, CHUNK)], osems[slot]
            )

        for s in range(min(NBUF, NCHUNK)):
            in_copy(s, s).start()

        for ci in range(NCHUNK):
            slot = ci % NBUF
            in_copy(ci, slot).wait()
            out_copy(ci, slot).start()
            out_copy(ci, slot).wait()
            nxt = ci + NBUF
            if nxt < NCHUNK:
                in_copy(nxt, slot).start()

    return k


_sc_copy = _make_kernel()


@jax.jit
def kernel(x):
    xg = x.reshape(ROWS, 4, D)
    out = _sc_copy(xg)
    return out.reshape(B, N_OUT, D)

# --- scband reference (transcript-rebuilt; emitter-appended) ---
"""Pipeline reference for scband-center-downsample-44272522887497 (READ-ONLY COPY).

The authoritative reference and input builder live on the scoring server;
editing this copy changes nothing except your own understanding.
"""

import jax, jax.numpy as jnp
import numpy as np

IN_RANK = 7
OUT_RANK = 6
# Icosphere face counts: F(r) = 20 * 4**r
N_IN = 20 * 4**IN_RANK    # 327680
N_OUT = 20 * 4**OUT_RANK  # 81920
D = 64
B = 2

# in_rank >= 7 takes the 'risky' path with node_type == 'face':
# center_idx = range(3, N_IN, 4) -> exactly N_OUT indices
CENTER_IDX = jnp.arange(3, N_IN, 4, dtype=jnp.int32)
assert CENTER_IDX.shape[0] == N_OUT


def setup_inputs(seed: int = 0) -> dict:
    key = jax.random.key(seed)
    x = jax.random.normal(key, (B, N_IN, D), dtype=jnp.float32)
    return {"x": x}


def reference(x):
    # forward: x[:, self.center_idx, :]  (gather along node axis)
    return jnp.take(x, CENTER_IDX, axis=1)

if __name__ == "__main__":
    import jax
    _d = setup_inputs()
    print(jax.jit(kernel)(*tuple(_d.values())))

</pallas_src>

<mosaic_0001>
#map = affine_map<(d0, d1) -> (0, 0, 0)>
#map1 = affine_map<(d0, d1) -> (0, 0)>
module attributes {stable_mosaic.version = 14 : i64} {
  func.func @k(%arg0: i32, %arg1: i32, %arg2: memref<163840x4x64xf32, #tpu.memory_space<hbm>>, %arg3: memref<163840x64xf32, #tpu.memory_space<hbm>>, %arg4: memref<512x64xf32, #tpu.memory_space<vmem>>, %arg5: memref<512x64xf32, #tpu.memory_space<vmem>>, %arg6: memref<!tpu.dma_semaphore, #tpu.memory_space<semaphore_mem>>, %arg7: memref<!tpu.dma_semaphore, #tpu.memory_space<semaphore_mem>>, %arg8: memref<!tpu.dma_semaphore, #tpu.memory_space<semaphore_mem>>, %arg9: memref<!tpu.dma_semaphore, #tpu.memory_space<semaphore_mem>>) attributes {dimension_semantics = [#tpu.dimension_semantics<core_parallel>, #tpu.dimension_semantics<subcore_parallel>], iteration_bounds = array<i64: 2, 16>, scalar_prefetch = 0 : i64, scratch_operands = 6 : i64, tpu.core_type = #tpu.core_type<sc_vector_subcore>, window_params = [{transform_indices = #map}, {transform_indices = #map1}]} {
    %mul3A = arith.constant 2 : i32
    %mul3A_0 = arith.muli %arg1, %mul3A : i32
    %add3A = arith.addi %mul3A_0, %arg0 : i32
    %mul3A_1 = arith.constant 5120 : i32
    %mul3A_2 = arith.muli %add3A, %mul3A_1 : i32
    %add3A_3 = arith.constant 0 : i32
    %add3A_4 = arith.addi %mul3A_2, %add3A_3 : i32
    %dma_start3A = arith.constant 3 : i32
    %dma_start3A_5 = arith.constant 0 : i32
    %dma_start3A_6 = tpu.memref_slice %arg2[%add3A_4, %dma_start3A, %dma_start3A_5] : memref<163840x4x64xf32, #tpu.memory_space<hbm>> -> memref<512x1x64xf32, #tpu.memory_space<hbm>>
    %dma_start3A_7 = tpu.memref_squeeze %dma_start3A_6 : memref<512x1x64xf32, #tpu.memory_space<hbm>> -> memref<512x64xf32, #tpu.memory_space<hbm>>
    %dma_start3A_8 = arith.constant 0 : i32
    %dma_start3A_9 = tpu.memref_slice %arg2[%add3A_4, %dma_start3A, %dma_start3A_8] : memref<163840x4x64xf32, #tpu.memory_space<hbm>> -> memref<512x1x64xf32, #tpu.memory_space<hbm>>
    %dma_start3A_10 = tpu.memref_squeeze %dma_start3A_9 : memref<512x1x64xf32, #tpu.memory_space<hbm>> -> memref<512x64xf32, #tpu.memory_space<hbm>>
    tpu.enqueue_dma source(%dma_start3A_10 : memref<512x64xf32, #tpu.memory_space<hbm>>) target(%arg4 : memref<512x64xf32, #tpu.memory_space<vmem>>) target_semaphore(%arg6 : memref<!tpu.dma_semaphore, #tpu.memory_space<semaphore_mem>>)
    %add3A_11 = arith.constant 512 : i32
    %add3A_12 = arith.addi %mul3A_2, %add3A_11 : i32
    %dma_start3A_13 = arith.constant 3 : i32
    %dma_start3A_14 = arith.constant 0 : i32
    %dma_start3A_15 = tpu.memref_slice %arg2[%add3A_12, %dma_start3A_13, %dma_start3A_14] : memref<163840x4x64xf32, #tpu.memory_space<hbm>> -> memref<512x1x64xf32, #tpu.memory_space<hbm>>
    %dma_start3A_16 = tpu.memref_squeeze %dma_start3A_15 : memref<512x1x64xf32, #tpu.memory_space<hbm>> -> memref<512x64xf32, #tpu.memory_space<hbm>>
    %dma_start3A_17 = arith.constant 0 : i32
    %dma_start3A_18 = tpu.memref_slice %arg2[%add3A_12, %dma_start3A_13, %dma_start3A_17] : memref<163840x4x64xf32, #tpu.memory_space<hbm>> -> memref<512x1x64xf32, #tpu.memory_space<hbm>>
    %dma_start3A_19 = tpu.memref_squeeze %dma_start3A_18 : memref<512x1x64xf32, #tpu.memory_space<hbm>> -> memref<512x64xf32, #tpu.memory_space<hbm>>
    tpu.enqueue_dma source(%dma_start3A_19 : memref<512x64xf32, #tpu.memory_space<hbm>>) target(%arg5 : memref<512x64xf32, #tpu.memory_space<vmem>>) target_semaphore(%arg7 : memref<!tpu.dma_semaphore, #tpu.memory_space<semaphore_mem>>)
    %add3A_20 = arith.constant 0 : i32
    %add3A_21 = arith.addi %mul3A_2, %add3A_20 : i32
    %dma_wait3A = arith.constant 3 : i32
    %dma_wait3A_22 = arith.constant 0 : i32
    %dma_wait3A_23 = tpu.memref_slice %arg2[%add3A_21, %dma_wait3A, %dma_wait3A_22] : memref<163840x4x64xf32, #tpu.memory_space<hbm>> -> memref<512x1x64xf32, #tpu.memory_space<hbm>>
    %dma_wait3A_24 = tpu.memref_squeeze %dma_wait3A_23 : memref<512x1x64xf32, #tpu.memory_space<hbm>> -> memref<512x64xf32, #tpu.memory_space<hbm>>
    %dma_wait3A_25 = arith.constant 0 : i32
    %dma_wait3A_26 = tpu.memref_slice %arg2[%add3A_21, %dma_wait3A, %dma_wait3A_25] : memref<163840x4x64xf32, #tpu.memory_space<hbm>> -> memref<512x1x64xf32, #tpu.memory_space<hbm>>
    %dma_wait3A_27 = tpu.memref_squeeze %dma_wait3A_26 : memref<512x1x64xf32, #tpu.memory_space<hbm>> -> memref<512x64xf32, #tpu.memory_space<hbm>>
    tpu.wait_dma2 semaphore(%arg6 : memref<!tpu.dma_semaphore, #tpu.memory_space<semaphore_mem>>) src(%dma_wait3A_27 : memref<512x64xf32, #tpu.memory_space<hbm>>) dst(%arg4 : memref<512x64xf32, #tpu.memory_space<vmem>>)
    %add3A_28 = arith.constant 0 : i32
    %add3A_29 = arith.addi %mul3A_2, %add3A_28 : i32
    %dma_start3A_30 = arith.constant 0 : i32
    %dma_start3A_31 = tpu.memref_slice %arg3[%add3A_29, %dma_start3A_30] : memref<163840x64xf32, #tpu.memory_space<hbm>> -> memref<512x64xf32, #tpu.memory_space<hbm>>
    %dma_start3A_32 = arith.constant 0 : i32
    %dma_start3A_33 = tpu.memref_slice %arg3[%add3A_29, %dma_start3A_32] : memref<163840x64xf32, #tpu.memory_space<hbm>> -> memref<512x64xf32, #tpu.memory_space<hbm>>
    tpu.enqueue_dma source(%arg4 : memref<512x64xf32, #tpu.memory_space<vmem>>) target(%dma_start3A_33 : memref<512x64xf32, #tpu.memory_space<hbm>>) target_semaphore(%arg8 : memref<!tpu.dma_semaphore, #tpu.memory_space<semaphore_mem>>)
    %add3A_34 = arith.constant 0 : i32
    %add3A_35 = arith.addi %mul3A_2, %add3A_34 : i32
    %dma_wait3A_36 = arith.constant 0 : i32
    %dma_wait3A_37 = tpu.memref_slice %arg3[%add3A_35, %dma_wait3A_36] : memref<163840x64xf32, #tpu.memory_space<hbm>> -> memref<512x64xf32, #tpu.memory_space<hbm>>
    %dma_wait3A_38 = arith.constant 0 : i32
    %dma_wait3A_39 = tpu.memref_slice %arg3[%add3A_35, %dma_wait3A_38] : memref<163840x64xf32, #tpu.memory_space<hbm>> -> memref<512x64xf32, #tpu.memory_space<hbm>>
    tpu.wait_dma2 semaphore(%arg8 : memref<!tpu.dma_semaphore, #tpu.memory_space<semaphore_mem>>) src(%arg4 : memref<512x64xf32, #tpu.memory_space<vmem>>) dst(%dma_wait3A_39 : memref<512x64xf32, #tpu.memory_space<hbm>>)
    %add3A_40 = arith.constant 1024 : i32
    %add3A_41 = arith.addi %mul3A_2, %add3A_40 : i32
    %dma_start3A_42 = arith.constant 3 : i32
    %dma_start3A_43 = arith.constant 0 : i32
    %dma_start3A_44 = tpu.memref_slice %arg2[%add3A_41, %dma_start3A_42, %dma_start3A_43] : memref<163840x4x64xf32, #tpu.memory_space<hbm>> -> memref<512x1x64xf32, #tpu.memory_space<hbm>>
    %dma_start3A_45 = tpu.memref_squeeze %dma_start3A_44 : memref<512x1x64xf32, #tpu.memory_space<hbm>> -> memref<512x64xf32, #tpu.memory_space<hbm>>
    %dma_start3A_46 = arith.constant 0 : i32
    %dma_start3A_47 = tpu.memref_slice %arg2[%add3A_41, %dma_start3A_42, %dma_start3A_46] : memref<163840x4x64xf32, #tpu.memory_space<hbm>> -> memref<512x1x64xf32, #tpu.memory_space<hbm>>
    %dma_start3A_48 = tpu.memref_squeeze %dma_start3A_47 : memref<512x1x64xf32, #tpu.memory_space<hbm>> -> memref<512x64xf32, #tpu.memory_space<hbm>>
    tpu.enqueue_dma source(%dma_start3A_48 : memref<512x64xf32, #tpu.memory_space<hbm>>) target(%arg4 : memref<512x64xf32, #tpu.memory_space<vmem>>) target_semaphore(%arg6 : memref<!tpu.dma_semaphore, #tpu.memory_space<semaphore_mem>>)
    %add3A_49 = arith.constant 512 : i32
    %add3A_50 = arith.addi %mul3A_2, %add3A_49 : i32
    %dma_wait3A_51 = arith.constant 3 : i32
    %dma_wait3A_52 = arith.constant 0 : i32
    %dma_wait3A_53 = tpu.memref_slice %arg2[%add3A_50, %dma_wait3A_51, %dma_wait3A_52] : memref<163840x4x64xf32, #tpu.memory_space<hbm>> -> memref<512x1x64xf32, #tpu.memory_space<hbm>>
    %dma_wait3A_54 = tpu.memref_squeeze %dma_wait3A_53 : memref<512x1x64xf32, #tpu.memory_space<hbm>> -> memref<512x64xf32, #tpu.memory_space<hbm>>
    %dma_wait3A_55 = arith.constant 0 : i32
    %dma_wait3A_56 = tpu.memref_slice %arg2[%add3A_50, %dma_wait3A_51, %dma_wait3A_55] : memref<163840x4x64xf32, #tpu.memory_space<hbm>> -> memref<512x1x64xf32, #tpu.memory_space<hbm>>
    %dma_wait3A_57 = tpu.memref_squeeze %dma_wait3A_56 : memref<512x1x64xf32, #tpu.memory_space<hbm>> -> memref<512x64xf32, #tpu.memory_space<hbm>>
    tpu.wait_dma2 semaphore(%arg7 : memref<!tpu.dma_semaphore, #tpu.memory_space<semaphore_mem>>) src(%dma_wait3A_57 : memref<512x64xf32, #tpu.memory_space<hbm>>) dst(%arg5 : memref<512x64xf32, #tpu.memory_space<vmem>>)
    %add3A_58 = arith.constant 512 : i32
    %add3A_59 = arith.addi %mul3A_2, %add3A_58 : i32
    %dma_start3A_60 = arith.constant 0 : i32
    %dma_start3A_61 = tpu.memref_slice %arg3[%add3A_59, %dma_start3A_60] : memref<163840x64xf32, #tpu.memory_space<hbm>> -> memref<512x64xf32, #tpu.memory_space<hbm>>
    %dma_start3A_62 = arith.constant 0 : i32
    %dma_start3A_63 = tpu.memref_slice %arg3[%add3A_59, %dma_start3A_62] : memref<163840x64xf32, #tpu.memory_space<hbm>> -> memref<512x64xf32, #tpu.memory_space<hbm>>
    tpu.enqueue_dma source(%arg5 : memref<512x64xf32, #tpu.memory_space<vmem>>) target(%dma_start3A_63 : memref<512x64xf32, #tpu.memory_space<hbm>>) target_semaphore(%arg9 : memref<!tpu.dma_semaphore, #tpu.memory_space<semaphore_mem>>)
    %add3A_64 = arith.constant 512 : i32
    %add3A_65 = arith.addi %mul3A_2, %add3A_64 : i32
    %dma_wait3A_66 = arith.constant 0 : i32
    %dma_wait3A_67 = tpu.memref_slice %arg3[%add3A_65, %dma_wait3A_66] : memref<163840x64xf32, #tpu.memory_space<hbm>> -> memref<512x64xf32, #tpu.memory_space<hbm>>
    %dma_wait3A_68 = arith.constant 0 : i32
    %dma_wait3A_69 = tpu.memref_slice %arg3[%add3A_65, %dma_wait3A_68] : memref<163840x64xf32, #tpu.memory_space<hbm>> -> memref<512x64xf32, #tpu.memory_space<hbm>>
    tpu.wait_dma2 semaphore(%arg9 : memref<!tpu.dma_semaphore, #tpu.memory_space<semaphore_mem>>) src(%arg5 : memref<512x64xf32, #tpu.memory_space<vmem>>) dst(%dma_wait3A_69 : memref<512x64xf32, #tpu.memory_space<hbm>>)
    %add3A_70 = arith.constant 1536 : i32
    %add3A_71 = arith.addi %mul3A_2, %add3A_70 : i32
    %dma_start3A_72 = arith.constant 3 : i32
    %dma_start3A_73 = arith.constant 0 : i32
    %dma_start3A_74 = tpu.memref_slice %arg2[%add3A_71, %dma_start3A_72, %dma_start3A_73] : memref<163840x4x64xf32, #tpu.memory_space<hbm>> -> memref<512x1x64xf32, #tpu.memory_space<hbm>>
    %dma_start3A_75 = tpu.memref_squeeze %dma_start3A_74 : memref<512x1x64xf32, #tpu.memory_space<hbm>> -> memref<512x64xf32, #tpu.memory_space<hbm>>
    %dma_start3A_76 = arith.constant 0 : i32
    %dma_start3A_77 = tpu.memref_slice %arg2[%add3A_71, %dma_start3A_72, %dma_start3A_76] : memref<163840x4x64xf32, #tpu.memory_space<hbm>> -> memref<512x1x64xf32, #tpu.memory_space<hbm>>
    %dma_start3A_78 = tpu.memref_squeeze %dma_start3A_77 : memref<512x1x64xf32, #tpu.memory_space<hbm>> -> memref<512x64xf32, #tpu.memory_space<hbm>>
    tpu.enqueue_dma source(%dma_start3A_78 : memref<512x64xf32, #tpu.memory_space<hbm>>) target(%arg5 : memref<512x64xf32, #tpu.memory_space<vmem>>) target_semaphore(%arg7 : memref<!tpu.dma_semaphore, #tpu.memory_space<semaphore_mem>>)
    %add3A_79 = arith.constant 1024 : i32
    %add3A_80 = arith.addi %mul3A_2, %add3A_79 : i32
    %dma_wait3A_81 = arith.constant 3 : i32
    %dma_wait3A_82 = arith.constant 0 : i32
    %dma_wait3A_83 = tpu.memref_slice %arg2[%add3A_80, %dma_wait3A_81, %dma_wait3A_82] : memref<163840x4x64xf32, #tpu.memory_space<hbm>> -> memref<512x1x64xf32, #tpu.memory_space<hbm>>
    %dma_wait3A_84 = tpu.memref_squeeze %dma_wait3A_83 : memref<512x1x64xf32, #tpu.memory_space<hbm>> -> memref<512x64xf32, #tpu.memory_space<hbm>>
    %dma_wait3A_85 = arith.constant 0 : i32
    %dma_wait3A_86 = tpu.memref_slice %arg2[%add3A_80, %dma_wait3A_81, %dma_wait3A_85] : memref<163840x4x64xf32, #tpu.memory_space<hbm>> -> memref<512x1x64xf32, #tpu.memory_space<hbm>>
    %dma_wait3A_87 = tpu.memref_squeeze %dma_wait3A_86 : memref<512x1x64xf32, #tpu.memory_space<hbm>> -> memref<512x64xf32, #tpu.memory_space<hbm>>
    tpu.wait_dma2 semaphore(%arg6 : memref<!tpu.dma_semaphore, #tpu.memory_space<semaphore_mem>>) src(%dma_wait3A_87 : memref<512x64xf32, #tpu.memory_space<hbm>>) dst(%arg4 : memref<512x64xf32, #tpu.memory_space<vmem>>)
    %add3A_88 = arith.constant 1024 : i32
    %add3A_89 = arith.addi %mul3A_2, %add3A_88 : i32
    %dma_start3A_90 = arith.constant 0 : i32
    %dma_start3A_91 = tpu.memref_slice %arg3[%add3A_89, %dma_start3A_90] : memref<163840x64xf32, #tpu.memory_space<hbm>> -> memref<512x64xf32, #tpu.memory_space<hbm>>
    %dma_start3A_92 = arith.constant 0 : i32
    %dma_start3A_93 = tpu.memref_slice %arg3[%add3A_89, %dma_start3A_92] : memref<163840x64xf32, #tpu.memory_space<hbm>> -> memref<512x64xf32, #tpu.memory_space<hbm>>
    tpu.enqueue_dma source(%arg4 : memref<512x64xf32, #tpu.memory_space<vmem>>) target(%dma_start3A_93 : memref<512x64xf32, #tpu.memory_space<hbm>>) target_semaphore(%arg8 : memref<!tpu.dma_semaphore, #tpu.memory_space<semaphore_mem>>)
    %add3A_94 = arith.constant 1024 : i32
    %add3A_95 = arith.addi %mul3A_2, %add3A_94 : i32
    %dma_wait3A_96 = arith.constant 0 : i32
    %dma_wait3A_97 = tpu.memref_slice %arg3[%add3A_95, %dma_wait3A_96] : memref<163840x64xf32, #tpu.memory_space<hbm>> -> memref<512x64xf32, #tpu.memory_space<hbm>>
    %dma_wait3A_98 = arith.constant 0 : i32
    %dma_wait3A_99 = tpu.memref_slice %arg3[%add3A_95, %dma_wait3A_98] : memref<163840x64xf32, #tpu.memory_space<hbm>> -> memref<512x64xf32, #tpu.memory_space<hbm>>
    tpu.wait_dma2 semaphore(%arg8 : memref<!tpu.dma_semaphore, #tpu.memory_space<semaphore_mem>>) src(%arg4 : memref<512x64xf32, #tpu.memory_space<vmem>>) dst(%dma_wait3A_99 : memref<512x64xf32, #tpu.memory_space<hbm>>)
    %add3A_100 = arith.constant 2048 : i32
    %add3A_101 = arith.addi %mul3A_2, %add3A_100 : i32
    %dma_start3A_102 = arith.constant 3 : i32
    %dma_start3A_103 = arith.constant 0 : i32
    %dma_start3A_104 = tpu.memref_slice %arg2[%add3A_101, %dma_start3A_102, %dma_start3A_103] : memref<163840x4x64xf32, #tpu.memory_space<hbm>> -> memref<512x1x64xf32, #tpu.memory_space<hbm>>
    %dma_start3A_105 = tpu.memref_squeeze %dma_start3A_104 : memref<512x1x64xf32, #tpu.memory_space<hbm>> -> memref<512x64xf32, #tpu.memory_space<hbm>>
    %dma_start3A_106 = arith.constant 0 : i32
    %dma_start3A_107 = tpu.memref_slice %arg2[%add3A_101, %dma_start3A_102, %dma_start3A_106] : memref<163840x4x64xf32, #tpu.memory_space<hbm>> -> memref<512x1x64xf32, #tpu.memory_space<hbm>>
    %dma_start3A_108 = tpu.memref_squeeze %dma_start3A_107 : memref<512x1x64xf32, #tpu.memory_space<hbm>> -> memref<512x64xf32, #tpu.memory_space<hbm>>
    tpu.enqueue_dma source(%dma_start3A_108 : memref<512x64xf32, #tpu.memory_space<hbm>>) target(%arg4 : memref<512x64xf32, #tpu.memory_space<vmem>>) target_semaphore(%arg6 : memref<!tpu.dma_semaphore, #tpu.memory_space<semaphore_mem>>)
    %add3A_109 = arith.constant 1536 : i32
    %add3A_110 = arith.addi %mul3A_2, %add3A_109 : i32
    %dma_wait3A_111 = arith.constant 3 : i32
    %dma_wait3A_112 = arith.constant 0 : i32
    %dma_wait3A_113 = tpu.memref_slice %arg2[%add3A_110, %dma_wait3A_111, %dma_wait3A_112] : memref<163840x4x64xf32, #tpu.memory_space<hbm>> -> memref<512x1x64xf32, #tpu.memory_space<hbm>>
    %dma_wait3A_114 = tpu.memref_squeeze %dma_wait3A_113 : memref<512x1x64xf32, #tpu.memory_space<hbm>> -> memref<512x64xf32, #tpu.memory_space<hbm>>
    %dma_wait3A_115 = arith.constant 0 : i32
    %dma_wait3A_116 = tpu.memref_slice %arg2[%add3A_110, %dma_wait3A_111, %dma_wait3A_115] : memref<163840x4x64xf32, #tpu.memory_space<hbm>> -> memref<512x1x64xf32, #tpu.memory_space<hbm>>
    %dma_wait3A_117 = tpu.memref_squeeze %dma_wait3A_116 : memref<512x1x64xf32, #tpu.memory_space<hbm>> -> memref<512x64xf32, #tpu.memory_space<hbm>>
    tpu.wait_dma2 semaphore(%arg7 : memref<!tpu.dma_semaphore, #tpu.memory_space<semaphore_mem>>) src(%dma_wait3A_117 : memref<512x64xf32, #tpu.memory_space<hbm>>) dst(%arg5 : memref<512x64xf32, #tpu.memory_space<vmem>>)
    %add3A_118 = arith.constant 1536 : i32
    %add3A_119 = arith.addi %mul3A_2, %add3A_118 : i32
    %dma_start3A_120 = arith.constant 0 : i32
    %dma_start3A_121 = tpu.memref_slice %arg3[%add3A_119, %dma_start3A_120] : memref<163840x64xf32, #tpu.memory_space<hbm>> -> memref<512x64xf32, #tpu.memory_space<hbm>>
    %dma_start3A_122 = arith.constant 0 : i32
    %dma_start3A_123 = tpu.memref_slice %arg3[%add3A_119, %dma_start3A_122] : memref<163840x64xf32, #tpu.memory_space<hbm>> -> memref<512x64xf32, #tpu.memory_space<hbm>>
    tpu.enqueue_dma source(%arg5 : memref<512x64xf32, #tpu.memory_space<vmem>>) target(%dma_start3A_123 : memref<512x64xf32, #tpu.memory_space<hbm>>) target_semaphore(%arg9 : memref<!tpu.dma_semaphore, #tpu.memory_space<semaphore_mem>>)
    %add3A_124 = arith.constant 1536 : i32
    %add3A_125 = arith.addi %mul3A_2, %add3A_124 : i32
    %dma_wait3A_126 = arith.constant 0 : i32
    %dma_wait3A_127 = tpu.memref_slice %arg3[%add3A_125, %dma_wait3A_126] : memref<163840x64xf32, #tpu.memory_space<hbm>> -> memref<512x64xf32, #tpu.memory_space<hbm>>
    %dma_wait3A_128 = arith.constant 0 : i32
    %dma_wait3A_129 = tpu.memref_slice %arg3[%add3A_125, %dma_wait3A_128] : memref<163840x64xf32, #tpu.memory_space<hbm>> -> memref<512x64xf32, #tpu.memory_space<hbm>>
    tpu.wait_dma2 semaphore(%arg9 : memref<!tpu.dma_semaphore, #tpu.memory_space<semaphore_mem>>) src(%arg5 : memref<512x64xf32, #tpu.memory_space<vmem>>) dst(%dma_wait3A_129 : memref<512x64xf32, #tpu.memory_space<hbm>>)
    %add3A_130 = arith.constant 2560 : i32
    %add3A_131 = arith.addi %mul3A_2, %add3A_130 : i32
    %dma_start3A_132 = arith.constant 3 : i32
    %dma_start3A_133 = arith.constant 0 : i32
    %dma_start3A_134 = tpu.memref_slice %arg2[%add3A_131, %dma_start3A_132, %dma_start3A_133] : memref<163840x4x64xf32, #tpu.memory_space<hbm>> -> memref<512x1x64xf32, #tpu.memory_space<hbm>>
    %dma_start3A_135 = tpu.memref_squeeze %dma_start3A_134 : memref<512x1x64xf32, #tpu.memory_space<hbm>> -> memref<512x64xf32, #tpu.memory_space<hbm>>
    %dma_start3A_136 = arith.constant 0 : i32
    %dma_start3A_137 = tpu.memref_slice %arg2[%add3A_131, %dma_start3A_132, %dma_start3A_136] : memref<163840x4x64xf32, #tpu.memory_space<hbm>> -> memref<512x1x64xf32, #tpu.memory_space<hbm>>
    %dma_start3A_138 = tpu.memref_squeeze %dma_start3A_137 : memref<512x1x64xf32, #tpu.memory_space<hbm>> -> memref<512x64xf32, #tpu.memory_space<hbm>>
    tpu.enqueue_dma source(%dma_start3A_138 : memref<512x64xf32, #tpu.memory_space<hbm>>) target(%arg5 : memref<512x64xf32, #tpu.memory_space<vmem>>) target_semaphore(%arg7 : memref<!tpu.dma_semaphore, #tpu.memory_space<semaphore_mem>>)
    %add3A_139 = arith.constant 2048 : i32
    %add3A_140 = arith.addi %mul3A_2, %add3A_139 : i32
    %dma_wait3A_141 = arith.constant 3 : i32
    %dma_wait3A_142 = arith.constant 0 : i32
    %dma_wait3A_143 = tpu.memref_slice %arg2[%add3A_140, %dma_wait3A_141, %dma_wait3A_142] : memref<163840x4x64xf32, #tpu.memory_space<hbm>> -> memref<512x1x64xf32, #tpu.memory_space<hbm>>
    %dma_wait3A_144 = tpu.memref_squeeze %dma_wait3A_143 : memref<512x1x64xf32, #tpu.memory_space<hbm>> -> memref<512x64xf32, #tpu.memory_space<hbm>>
    %dma_wait3A_145 = arith.constant 0 : i32
    %dma_wait3A_146 = tpu.memref_slice %arg2[%add3A_140, %dma_wait3A_141, %dma_wait3A_145] : memref<163840x4x64xf32, #tpu.memory_space<hbm>> -> memref<512x1x64xf32, #tpu.memory_space<hbm>>
    %dma_wait3A_147 = tpu.memref_squeeze %dma_wait3A_146 : memref<512x1x64xf32, #tpu.memory_space<hbm>> -> memref<512x64xf32, #tpu.memory_space<hbm>>
    tpu.wait_dma2 semaphore(%arg6 : memref<!tpu.dma_semaphore, #tpu.memory_space<semaphore_mem>>) src(%dma_wait3A_147 : memref<512x64xf32, #tpu.memory_space<hbm>>) dst(%arg4 : memref<512x64xf32, #tpu.memory_space<vmem>>)
    %add3A_148 = arith.constant 2048 : i32
    %add3A_149 = arith.addi %mul3A_2, %add3A_148 : i32
    %dma_start3A_150 = arith.constant 0 : i32
    %dma_start3A_151 = tpu.memref_slice %arg3[%add3A_149, %dma_start3A_150] : memref<163840x64xf32, #tpu.memory_space<hbm>> -> memref<512x64xf32, #tpu.memory_space<hbm>>
    %dma_start3A_152 = arith.constant 0 : i32
    %dma_start3A_153 = tpu.memref_slice %arg3[%add3A_149, %dma_start3A_152] : memref<163840x64xf32, #tpu.memory_space<hbm>> -> memref<512x64xf32, #tpu.memory_space<hbm>>
    tpu.enqueue_dma source(%arg4 : memref<512x64xf32, #tpu.memory_space<vmem>>) target(%dma_start3A_153 : memref<512x64xf32, #tpu.memory_space<hbm>>) target_semaphore(%arg8 : memref<!tpu.dma_semaphore, #tpu.memory_space<semaphore_mem>>)
    %add3A_154 = arith.constant 2048 : i32
    %add3A_155 = arith.addi %mul3A_2, %add3A_154 : i32
    %dma_wait3A_156 = arith.constant 0 : i32
    %dma_wait3A_157 = tpu.memref_slice %arg3[%add3A_155, %dma_wait3A_156] : memref<163840x64xf32, #tpu.memory_space<hbm>> -> memref<512x64xf32, #tpu.memory_space<hbm>>
    %dma_wait3A_158 = arith.constant 0 : i32
    %dma_wait3A_159 = tpu.memref_slice %arg3[%add3A_155, %dma_wait3A_158] : memref<163840x64xf32, #tpu.memory_space<hbm>> -> memref<512x64xf32, #tpu.memory_space<hbm>>
    tpu.wait_dma2 semaphore(%arg8 : memref<!tpu.dma_semaphore, #tpu.memory_space<semaphore_mem>>) src(%arg4 : memref<512x64xf32, #tpu.memory_space<vmem>>) dst(%dma_wait3A_159 : memref<512x64xf32, #tpu.memory_space<hbm>>)
    %add3A_160 = arith.constant 3072 : i32
    %add3A_161 = arith.addi %mul3A_2, %add3A_160 : i32
    %dma_start3A_162 = arith.constant 3 : i32
    %dma_start3A_163 = arith.constant 0 : i32
    %dma_start3A_164 = tpu.memref_slice %arg2[%add3A_161, %dma_start3A_162, %dma_start3A_163] : memref<163840x4x64xf32, #tpu.memory_space<hbm>> -> memref<512x1x64xf32, #tpu.memory_space<hbm>>
    %dma_start3A_165 = tpu.memref_squeeze %dma_start3A_164 : memref<512x1x64xf32, #tpu.memory_space<hbm>> -> memref<512x64xf32, #tpu.memory_space<hbm>>
    %dma_start3A_166 = arith.constant 0 : i32
    %dma_start3A_167 = tpu.memref_slice %arg2[%add3A_161, %dma_start3A_162, %dma_start3A_166] : memref<163840x4x64xf32, #tpu.memory_space<hbm>> -> memref<512x1x64xf32, #tpu.memory_space<hbm>>
    %dma_start3A_168 = tpu.memref_squeeze %dma_start3A_167 : memref<512x1x64xf32, #tpu.memory_space<hbm>> -> memref<512x64xf32, #tpu.memory_space<hbm>>
    tpu.enqueue_dma source(%dma_start3A_168 : memref<512x64xf32, #tpu.memory_space<hbm>>) target(%arg4 : memref<512x64xf32, #tpu.memory_space<vmem>>) target_semaphore(%arg6 : memref<!tpu.dma_semaphore, #tpu.memory_space<semaphore_mem>>)
    %add3A_169 = arith.constant 2560 : i32
    %add3A_170 = arith.addi %mul3A_2, %add3A_169 : i32
    %dma_wait3A_171 = arith.constant 3 : i32
    %dma_wait3A_172 = arith.constant 0 : i32
    %dma_wait3A_173 = tpu.memref_slice %arg2[%add3A_170, %dma_wait3A_171, %dma_wait3A_172] : memref<163840x4x64xf32, #tpu.memory_space<hbm>> -> memref<512x1x64xf32, #tpu.memory_space<hbm>>
    %dma_wait3A_174 = tpu.memref_squeeze %dma_wait3A_173 : memref<512x1x64xf32, #tpu.memory_space<hbm>> -> memref<512x64xf32, #tpu.memory_space<hbm>>
    %dma_wait3A_175 = arith.constant 0 : i32
    %dma_wait3A_176 = tpu.memref_slice %arg2[%add3A_170, %dma_wait3A_171, %dma_wait3A_175] : memref<163840x4x64xf32, #tpu.memory_space<hbm>> -> memref<512x1x64xf32, #tpu.memory_space<hbm>>
    %dma_wait3A_177 = tpu.memref_squeeze %dma_wait3A_176 : memref<512x1x64xf32, #tpu.memory_space<hbm>> -> memref<512x64xf32, #tpu.memory_space<hbm>>
    tpu.wait_dma2 semaphore(%arg7 : memref<!tpu.dma_semaphore, #tpu.memory_space<semaphore_mem>>) src(%dma_wait3A_177 : memref<512x64xf32, #tpu.memory_space<hbm>>) dst(%arg5 : memref<512x64xf32, #tpu.memory_space<vmem>>)
    %add3A_178 = arith.constant 2560 : i32
    %add3A_179 = arith.addi %mul3A_2, %add3A_178 : i32
    %dma_start3A_180 = arith.constant 0 : i32
    %dma_start3A_181 = tpu.memref_slice %arg3[%add3A_179, %dma_start3A_180] : memref<163840x64xf32, #tpu.memory_space<hbm>> -> memref<512x64xf32, #tpu.memory_space<hbm>>
    %dma_start3A_182 = arith.constant 0 : i32
    %dma_start3A_183 = tpu.memref_slice %arg3[%add3A_179, %dma_start3A_182] : memref<163840x64xf32, #tpu.memory_space<hbm>> -> memref<512x64xf32, #tpu.memory_space<hbm>>
    tpu.enqueue_dma source(%arg5 : memref<512x64xf32, #tpu.memory_space<vmem>>) target(%dma_start3A_183 : memref<512x64xf32, #tpu.memory_space<hbm>>) target_semaphore(%arg9 : memref<!tpu.dma_semaphore, #tpu.memory_space<semaphore_mem>>)
    %add3A_184 = arith.constant 2560 : i32
    %add3A_185 = arith.addi %mul3A_2, %add3A_184 : i32
    %dma_wait3A_186 = arith.constant 0 : i32
    %dma_wait3A_187 = tpu.memref_slice %arg3[%add3A_185, %dma_wait3A_186] : memref<163840x64xf32, #tpu.memory_space<hbm>> -> memref<512x64xf32, #tpu.memory_space<hbm>>
    %dma_wait3A_188 = arith.constant 0 : i32
    %dma_wait3A_189 = tpu.memref_slice %arg3[%add3A_185, %dma_wait3A_188] : memref<163840x64xf32, #tpu.memory_space<hbm>> -> memref<512x64xf32, #tpu.memory_space<hbm>>
    tpu.wait_dma2 semaphore(%arg9 : memref<!tpu.dma_semaphore, #tpu.memory_space<semaphore_mem>>) src(%arg5 : memref<512x64xf32, #tpu.memory_space<vmem>>) dst(%dma_wait3A_189 : memref<512x64xf32, #tpu.memory_space<hbm>>)
    %add3A_190 = arith.constant 3584 : i32
    %add3A_191 = arith.addi %mul3A_2, %add3A_190 : i32
    %dma_start3A_192 = arith.constant 3 : i32
    %dma_start3A_193 = arith.constant 0 : i32
    %dma_start3A_194 = tpu.memref_slice %arg2[%add3A_191, %dma_start3A_192, %dma_start3A_193] : memref<163840x4x64xf32, #tpu.memory_space<hbm>> -> memref<512x1x64xf32, #tpu.memory_space<hbm>>
    %dma_start3A_195 = tpu.memref_squeeze %dma_start3A_194 : memref<512x1x64xf32, #tpu.memory_space<hbm>> -> memref<512x64xf32, #tpu.memory_space<hbm>>
    %dma_start3A_196 = arith.constant 0 : i32
    %dma_start3A_197 = tpu.memref_slice %arg2[%add3A_191, %dma_start3A_192, %dma_start3A_196] : memref<163840x4x64xf32, #tpu.memory_space<hbm>> -> memref<512x1x64xf32, #tpu.memory_space<hbm>>
    %dma_start3A_198 = tpu.memref_squeeze %dma_start3A_197 : memref<512x1x64xf32, #tpu.memory_space<hbm>> -> memref<512x64xf32, #tpu.memory_space<hbm>>
    tpu.enqueue_dma source(%dma_start3A_198 : memref<512x64xf32, #tpu.memory_space<hbm>>) target(%arg5 : memref<512x64xf32, #tpu.memory_space<vmem>>) target_semaphore(%arg7 : memref<!tpu.dma_semaphore, #tpu.memory_space<semaphore_mem>>)
    %add3A_199 = arith.constant 3072 : i32
    %add3A_200 = arith.addi %mul3A_2, %add3A_199 : i32
    %dma_wait3A_201 = arith.constant 3 : i32
    %dma_wait3A_202 = arith.constant 0 : i32
    %dma_wait3A_203 = tpu.memref_slice %arg2[%add3A_200, %dma_wait3A_201, %dma_wait3A_202] : memref<163840x4x64xf32, #tpu.memory_space<hbm>> -> memref<512x1x64xf32, #tpu.memory_space<hbm>>
    %dma_wait3A_204 = tpu.memref_squeeze %dma_wait3A_203 : memref<512x1x64xf32, #tpu.memory_space<hbm>> -> memref<512x64xf32, #tpu.memory_space<hbm>>
    %dma_wait3A_205 = arith.constant 0 : i32
    %dma_wait3A_206 = tpu.memref_slice %arg2[%add3A_200, %dma_wait3A_201, %dma_wait3A_205] : memref<163840x4x64xf32, #tpu.memory_space<hbm>> -> memref<512x1x64xf32, #tpu.memory_space<hbm>>
    %dma_wait3A_207 = tpu.memref_squeeze %dma_wait3A_206 : memref<512x1x64xf32, #tpu.memory_space<hbm>> -> memref<512x64xf32, #tpu.memory_space<hbm>>
    tpu.wait_dma2 semaphore(%arg6 : memref<!tpu.dma_semaphore, #tpu.memory_space<semaphore_mem>>) src(%dma_wait3A_207 : memref<512x64xf32, #tpu.memory_space<hbm>>) dst(%arg4 : memref<512x64xf32, #tpu.memory_space<vmem>>)
    %add3A_208 = arith.constant 3072 : i32
    %add3A_209 = arith.addi %mul3A_2, %add3A_208 : i32
    %dma_start3A_210 = arith.constant 0 : i32
    %dma_start3A_211 = tpu.memref_slice %arg3[%add3A_209, %dma_start3A_210] : memref<163840x64xf32, #tpu.memory_space<hbm>> -> memref<512x64xf32, #tpu.memory_space<hbm>>
    %dma_start3A_212 = arith.constant 0 : i32
    %dma_start3A_213 = tpu.memref_slice %arg3[%add3A_209, %dma_start3A_212] : memref<163840x64xf32, #tpu.memory_space<hbm>> -> memref<512x64xf32, #tpu.memory_space<hbm>>
    tpu.enqueue_dma source(%arg4 : memref<512x64xf32, #tpu.memory_space<vmem>>) target(%dma_start3A_213 : memref<512x64xf32, #tpu.memory_space<hbm>>) target_semaphore(%arg8 : memref<!tpu.dma_semaphore, #tpu.memory_space<semaphore_mem>>)
    %add3A_214 = arith.constant 3072 : i32
    %add3A_215 = arith.addi %mul3A_2, %add3A_214 : i32
    %dma_wait3A_216 = arith.constant 0 : i32
    %dma_wait3A_217 = tpu.memref_slice %arg3[%add3A_215, %dma_wait3A_216] : memref<163840x64xf32, #tpu.memory_space<hbm>> -> memref<512x64xf32, #tpu.memory_space<hbm>>
    %dma_wait3A_218 = arith.constant 0 : i32
    %dma_wait3A_219 = tpu.memref_slice %arg3[%add3A_215, %dma_wait3A_218] : memref<163840x64xf32, #tpu.memory_space<hbm>> -> memref<512x64xf32, #tpu.memory_space<hbm>>
    tpu.wait_dma2 semaphore(%arg8 : memref<!tpu.dma_semaphore, #tpu.memory_space<semaphore_mem>>) src(%arg4 : memref<512x64xf32, #tpu.memory_space<vmem>>) dst(%dma_wait3A_219 : memref<512x64xf32, #tpu.memory_space<hbm>>)
    %add3A_220 = arith.constant 4096 : i32
    %add3A_221 = arith.addi %mul3A_2, %add3A_220 : i32
    %dma_start3A_222 = arith.constant 3 : i32
    %dma_start3A_223 = arith.constant 0 : i32
    %dma_start3A_224 = tpu.memref_slice %arg2[%add3A_221, %dma_start3A_222, %dma_start3A_223] : memref<163840x4x64xf32, #tpu.memory_space<hbm>> -> memref<512x1x64xf32, #tpu.memory_space<hbm>>
    %dma_start3A_225 = tpu.memref_squeeze %dma_start3A_224 : memref<512x1x64xf32, #tpu.memory_space<hbm>> -> memref<512x64xf32, #tpu.memory_space<hbm>>
    %dma_start3A_226 = arith.constant 0 : i32
    %dma_start3A_227 = tpu.memref_slice %arg2[%add3A_221, %dma_start3A_222, %dma_start3A_226] : memref<163840x4x64xf32, #tpu.memory_space<hbm>> -> memref<512x1x64xf32, #tpu.memory_space<hbm>>
    %dma_start3A_228 = tpu.memref_squeeze %dma_start3A_227 : memref<512x1x64xf32, #tpu.memory_space<hbm>> -> memref<512x64xf32, #tpu.memory_space<hbm>>
    tpu.enqueue_dma source(%dma_start3A_228 : memref<512x64xf32, #tpu.memory_space<hbm>>) target(%arg4 : memref<512x64xf32, #tpu.memory_space<vmem>>) target_semaphore(%arg6 : memref<!tpu.dma_semaphore, #tpu.memory_space<semaphore_mem>>)
    %add3A_229 = arith.constant 3584 : i32
    %add3A_230 = arith.addi %mul3A_2, %add3A_229 : i32
    %dma_wait3A_231 = arith.constant 3 : i32
    %dma_wait3A_232 = arith.constant 0 : i32
    %dma_wait3A_233 = tpu.memref_slice %arg2[%add3A_230, %dma_wait3A_231, %dma_wait3A_232] : memref<163840x4x64xf32, #tpu.memory_space<hbm>> -> memref<512x1x64xf32, #tpu.memory_space<hbm>>
    %dma_wait3A_234 = tpu.memref_squeeze %dma_wait3A_233 : memref<512x1x64xf32, #tpu.memory_space<hbm>> -> memref<512x64xf32, #tpu.memory_space<hbm>>
    %dma_wait3A_235 = arith.constant 0 : i32
    %dma_wait3A_236 = tpu.memref_slice %arg2[%add3A_230, %dma_wait3A_231, %dma_wait3A_235] : memref<163840x4x64xf32, #tpu.memory_space<hbm>> -> memref<512x1x64xf32, #tpu.memory_space<hbm>>
    %dma_wait3A_237 = tpu.memref_squeeze %dma_wait3A_236 : memref<512x1x64xf32, #tpu.memory_space<hbm>> -> memref<512x64xf32, #tpu.memory_space<hbm>>
    tpu.wait_dma2 semaphore(%arg7 : memref<!tpu.dma_semaphore, #tpu.memory_space<semaphore_mem>>) src(%dma_wait3A_237 : memref<512x64xf32, #tpu.memory_space<hbm>>) dst(%arg5 : memref<512x64xf32, #tpu.memory_space<vmem>>)
    %add3A_238 = arith.constant 3584 : i32
    %add3A_239 = arith.addi %mul3A_2, %add3A_238 : i32
    %dma_start3A_240 = arith.constant 0 : i32
    %dma_start3A_241 = tpu.memref_slice %arg3[%add3A_239, %dma_start3A_240] : memref<163840x64xf32, #tpu.memory_space<hbm>> -> memref<512x64xf32, #tpu.memory_space<hbm>>
    %dma_start3A_242 = arith.constant 0 : i32
    %dma_start3A_243 = tpu.memref_slice %arg3[%add3A_239, %dma_start3A_242] : memref<163840x64xf32, #tpu.memory_space<hbm>> -> memref<512x64xf32, #tpu.memory_space<hbm>>
    tpu.enqueue_dma source(%arg5 : memref<512x64xf32, #tpu.memory_space<vmem>>) target(%dma_start3A_243 : memref<512x64xf32, #tpu.memory_space<hbm>>) target_semaphore(%arg9 : memref<!tpu.dma_semaphore, #tpu.memory_space<semaphore_mem>>)
    %add3A_244 = arith.constant 3584 : i32
    %add3A_245 = arith.addi %mul3A_2, %add3A_244 : i32
    %dma_wait3A_246 = arith.constant 0 : i32
    %dma_wait3A_247 = tpu.memref_slice %arg3[%add3A_245, %dma_wait3A_246] : memref<163840x64xf32, #tpu.memory_space<hbm>> -> memref<512x64xf32, #tpu.memory_space<hbm>>
    %dma_wait3A_248 = arith.constant 0 : i32
    %dma_wait3A_249 = tpu.memref_slice %arg3[%add3A_245, %dma_wait3A_248] : memref<163840x64xf32, #tpu.memory_space<hbm>> -> memref<512x64xf32, #tpu.memory_space<hbm>>
    tpu.wait_dma2 semaphore(%arg9 : memref<!tpu.dma_semaphore, #tpu.memory_space<semaphore_mem>>) src(%arg5 : memref<512x64xf32, #tpu.memory_space<vmem>>) dst(%dma_wait3A_249 : memref<512x64xf32, #tpu.memory_space<hbm>>)
    %add3A_250 = arith.constant 4608 : i32
    %add3A_251 = arith.addi %mul3A_2, %add3A_250 : i32
    %dma_start3A_252 = arith.constant 3 : i32
    %dma_start3A_253 = arith.constant 0 : i32
    %dma_start3A_254 = tpu.memref_slice %arg2[%add3A_251, %dma_start3A_252, %dma_start3A_253] : memref<163840x4x64xf32, #tpu.memory_space<hbm>> -> memref<512x1x64xf32, #tpu.memory_space<hbm>>
    %dma_start3A_255 = tpu.memref_squeeze %dma_start3A_254 : memref<512x1x64xf32, #tpu.memory_space<hbm>> -> memref<512x64xf32, #tpu.memory_space<hbm>>
    %dma_start3A_256 = arith.constant 0 : i32
    %dma_start3A_257 = tpu.memref_slice %arg2[%add3A_251, %dma_start3A_252, %dma_start3A_256] : memref<163840x4x64xf32, #tpu.memory_space<hbm>> -> memref<512x1x64xf32, #tpu.memory_space<hbm>>
    %dma_start3A_258 = tpu.memref_squeeze %dma_start3A_257 : memref<512x1x64xf32, #tpu.memory_space<hbm>> -> memref<512x64xf32, #tpu.memory_space<hbm>>
    tpu.enqueue_dma source(%dma_start3A_258 : memref<512x64xf32, #tpu.memory_space<hbm>>) target(%arg5 : memref<512x64xf32, #tpu.memory_space<vmem>>) target_semaphore(%arg7 : memref<!tpu.dma_semaphore, #tpu.memory_space<semaphore_mem>>)
    %add3A_259 = arith.constant 4096 : i32
    %add3A_260 = arith.addi %mul3A_2, %add3A_259 : i32
    %dma_wait3A_261 = arith.constant 3 : i32
    %dma_wait3A_262 = arith.constant 0 : i32
    %dma_wait3A_263 = tpu.memref_slice %arg2[%add3A_260, %dma_wait3A_261, %dma_wait3A_262] : memref<163840x4x64xf32, #tpu.memory_space<hbm>> -> memref<512x1x64xf32, #tpu.memory_space<hbm>>
    %dma_wait3A_264 = tpu.memref_squeeze %dma_wait3A_263 : memref<512x1x64xf32, #tpu.memory_space<hbm>> -> memref<512x64xf32, #tpu.memory_space<hbm>>
    %dma_wait3A_265 = arith.constant 0 : i32
    %dma_wait3A_266 = tpu.memref_slice %arg2[%add3A_260, %dma_wait3A_261, %dma_wait3A_265] : memref<163840x4x64xf32, #tpu.memory_space<hbm>> -> memref<512x1x64xf32, #tpu.memory_space<hbm>>
    %dma_wait3A_267 = tpu.memref_squeeze %dma_wait3A_266 : memref<512x1x64xf32, #tpu.memory_space<hbm>> -> memref<512x64xf32, #tpu.memory_space<hbm>>
    tpu.wait_dma2 semaphore(%arg6 : memref<!tpu.dma_semaphore, #tpu.memory_space<semaphore_mem>>) src(%dma_wait3A_267 : memref<512x64xf32, #tpu.memory_space<hbm>>) dst(%arg4 : memref<512x64xf32, #tpu.memory_space<vmem>>)
    %add3A_268 = arith.constant 4096 : i32
    %add3A_269 = arith.addi %mul3A_2, %add3A_268 : i32
    %dma_start3A_270 = arith.constant 0 : i32
    %dma_start3A_271 = tpu.memref_slice %arg3[%add3A_269, %dma_start3A_270] : memref<163840x64xf32, #tpu.memory_space<hbm>> -> memref<512x64xf32, #tpu.memory_space<hbm>>
    %dma_start3A_272 = arith.constant 0 : i32
    %dma_start3A_273 = tpu.memref_slice %arg3[%add3A_269, %dma_start3A_272] : memref<163840x64xf32, #tpu.memory_space<hbm>> -> memref<512x64xf32, #tpu.memory_space<hbm>>
    tpu.enqueue_dma source(%arg4 : memref<512x64xf32, #tpu.memory_space<vmem>>) target(%dma_start3A_273 : memref<512x64xf32, #tpu.memory_space<hbm>>) target_semaphore(%arg8 : memref<!tpu.dma_semaphore, #tpu.memory_space<semaphore_mem>>)
    %add3A_274 = arith.constant 4096 : i32
    %add3A_275 = arith.addi %mul3A_2, %add3A_274 : i32
    %dma_wait3A_276 = arith.constant 0 : i32
    %dma_wait3A_277 = tpu.memref_slice %arg3[%add3A_275, %dma_wait3A_276] : memref<163840x64xf32, #tpu.memory_space<hbm>> -> memref<512x64xf32, #tpu.memory_space<hbm>>
    %dma_wait3A_278 = arith.constant 0 : i32
    %dma_wait3A_279 = tpu.memref_slice %arg3[%add3A_275, %dma_wait3A_278] : memref<163840x64xf32, #tpu.memory_space<hbm>> -> memref<512x64xf32, #tpu.memory_space<hbm>>
    tpu.wait_dma2 semaphore(%arg8 : memref<!tpu.dma_semaphore, #tpu.memory_space<semaphore_mem>>) src(%arg4 : memref<512x64xf32, #tpu.memory_space<vmem>>) dst(%dma_wait3A_279 : memref<512x64xf32, #tpu.memory_space<hbm>>)
    %add3A_280 = arith.constant 4608 : i32
    %add3A_281 = arith.addi %mul3A_2, %add3A_280 : i32
    %dma_wait3A_282 = arith.constant 3 : i32
    %dma_wait3A_283 = arith.constant 0 : i32
    %dma_wait3A_284 = tpu.memref_slice %arg2[%add3A_281, %dma_wait3A_282, %dma_wait3A_283] : memref<163840x4x64xf32, #tpu.memory_space<hbm>> -> memref<512x1x64xf32, #tpu.memory_space<hbm>>
    %dma_wait3A_285 = tpu.memref_squeeze %dma_wait3A_284 : memref<512x1x64xf32, #tpu.memory_space<hbm>> -> memref<512x64xf32, #tpu.memory_space<hbm>>
    %dma_wait3A_286 = arith.constant 0 : i32
    %dma_wait3A_287 = tpu.memref_slice %arg2[%add3A_281, %dma_wait3A_282, %dma_wait3A_286] : memref<163840x4x64xf32, #tpu.memory_space<hbm>> -> memref<512x1x64xf32, #tpu.memory_space<hbm>>
    %dma_wait3A_288 = tpu.memref_squeeze %dma_wait3A_287 : memref<512x1x64xf32, #tpu.memory_space<hbm>> -> memref<512x64xf32, #tpu.memory_space<hbm>>
    tpu.wait_dma2 semaphore(%arg7 : memref<!tpu.dma_semaphore, #tpu.memory_space<semaphore_mem>>) src(%dma_wait3A_288 : memref<512x64xf32, #tpu.memory_space<hbm>>) dst(%arg5 : memref<512x64xf32, #tpu.memory_space<vmem>>)
    %add3A_289 = arith.constant 4608 : i32
    %add3A_290 = arith.addi %mul3A_2, %add3A_289 : i32
    %dma_start3A_291 = arith.constant 0 : i32
    %dma_start3A_292 = tpu.memref_slice %arg3[%add3A_290, %dma_start3A_291] : memref<163840x64xf32, #tpu.memory_space<hbm>> -> memref<512x64xf32, #tpu.memory_space<hbm>>
    %dma_start3A_293 = arith.constant 0 : i32
    %dma_start3A_294 = tpu.memref_slice %arg3[%add3A_290, %dma_start3A_293] : memref<163840x64xf32, #tpu.memory_space<hbm>> -> memref<512x64xf32, #tpu.memory_space<hbm>>
    tpu.enqueue_dma source(%arg5 : memref<512x64xf32, #tpu.memory_space<vmem>>) target(%dma_start3A_294 : memref<512x64xf32, #tpu.memory_space<hbm>>) target_semaphore(%arg9 : memref<!tpu.dma_semaphore, #tpu.memory_space<semaphore_mem>>)
    %add3A_295 = arith.constant 4608 : i32
    %add3A_296 = arith.addi %mul3A_2, %add3A_295 : i32
    %dma_wait3A_297 = arith.constant 0 : i32
    %dma_wait3A_298 = tpu.memref_slice %arg3[%add3A_296, %dma_wait3A_297] : memref<163840x64xf32, #tpu.memory_space<hbm>> -> memref<512x64xf32, #tpu.memory_space<hbm>>
    %dma_wait3A_299 = arith.constant 0 : i32
    %dma_wait3A_300 = tpu.memref_slice %arg3[%add3A_296, %dma_wait3A_299] : memref<163840x64xf32, #tpu.memory_space<hbm>> -> memref<512x64xf32, #tpu.memory_space<hbm>>
    tpu.wait_dma2 semaphore(%arg9 : memref<!tpu.dma_semaphore, #tpu.memory_space<semaphore_mem>>) src(%arg5 : memref<512x64xf32, #tpu.memory_space<vmem>>) dst(%dma_wait3A_300 : memref<512x64xf32, #tpu.memory_space<hbm>>)
    return
  }
}

</mosaic_0001>

<sc_bundles>
// kernel: kernel.3.cloned.1.call-start
scs
__scs_entry_jumppad:
0x0: {  	(pc) =	sbr.rel $0x88, $3  }
0x1: {  	(tag) =	ssettag $0x0;
	lr =	simm.s32 $0x1  }
0x2: {  	[smem:$0x3FA0] =	sst lr;
	_ =	strace $0xD0000000  }
0x3: {  	_ = 	snop  }
0x4: {  	_ = 	snop  }
0x5: {  	_ = 	snop  }
0x6: {  	_ = 	snop  }
0x7: {  	_ = 	snop  }
__scs_overlays_trampoline_lowered:
0x8: {  	[smem:$0x3FAF] =	sst s0  }
0x9: {  	[smem:$0x3FB0] =	sst s1  }
0xa: {  	[smem:$0x3FB1] =	sst s2  }
0xb: {  	[smem:$0x3FB2] =	sst s3  }
0xc: {  	[smem:$0x3FB3] =	sst s4  }
0xd: {  	[smem:$0x3FB4] =	sst s5  }
0xe: {  	[smem:$0x3FB5] =	sst s6  }
0xf: {  	[smem:$0x3FB6] =	sst s7  }
0x10: {  	[smem:$0x3FB7] =	sst s8  }
0x11: {  	[smem:$0x3FB8] =	sst s9;
	s0 =	simm.s32 @!p0 $0x0  }
0x12: {  	s1 =	sld [smem:$0x3F9E];
	s0 =	simm.s32 @p0 $0x1  }
0x13: {  	[smem:$0x3FB9] =	sst s0;
	s0 =	simm.s32 @!p1 $0x0  }
0x14: {  	s2 =	sld [smem:$0x3F9D];
	s0 =	simm.s32 @p1 $0x1  }
0x15: {  	[smem:$0x3FBA] =	sst s0;
	s0 =	simm.s32 @!p2 $0x0  }
0x16: {  	s3 =	sld [smem:$0x3FDB];
	s0 =	simm.s32 @p2 $0x1  }
0x17: {  	s4 =	simm.s32 $0x1BF5;
	[smem:$0x3FBC] =	sst s0  }
0x18: {  	s0 =	sld [smem:$0x3F9F];
	_ =	swait.ge [sflag:s4], $0x0  }
0x19: {  	s7 =	sld [smem:$0x3FA0]  }
0x1a: {  	s8 =	sadd.s32 $0xFFFFE003, lr  }
0x1b: {  	s9 =	sadd.s32 $0xFFFFFEF7, lr;
	s5 =	simm.s32 $0xFFFFFFFF;
	p2 =	slt.u32 s8, $0xFFFFF086  }
0x1c: {  	p1 =	slt.u32 s9, $0xF7A;
	s5 =	simm.s32 @!p2 $0x0  }
0x1d: {  	s5 =	simm.s32 @p1 $0x1;
	p0 =	seq.s32 s7, s2  }
0x1e: {  	s7 =	smul.u32 @!p0 $0xF7A, s2;
	p2 =	seq.s32 @!p0 s5, $0x0  }
0x1f: {  	s9 =	smul.u32 $0xF7A, s1;
	s8 =	simm.s32 @!p0 $0x1BF5;
	p2 =	por !p2, p0  }
0x20: {  	[sflag:s8] =	ssyncset.s32 @!p0 $0xFFFFF086;
	s6 =	sadd.s32 @!p0 s3, s7;
	s7 =	simm.s32 @!p0 $0x108  }
0x21: {  	s3 =	sadd.s32 s3, s9;
	s6 =	sadd.s32 @!p0 $0x88, s6;
	s7 =	simm.s32 @p2 $0x1082  }
0x22: {  	[simem:s7], [sflag:s8] =	dma.local @!p0 [hbm:s6], $0xF7A  }
0x23: {  	s9 =	sor.u32 $0xD0000000, s2;
	s6 =	simm.s32 $0x108;
	_ =	swait.ge @!p0 [sflag:s8], $0x0  }
0x24: {  	s3 =	sadd.s32 $0x88, s3;
	s6 =	simm.s32 @!p1 $0x1082;
	[sflag:s4] =	ssyncset.s32 $0xFFFFF086  }
0x25: {  	[simem:s6], [sflag:s4] =	dma.local [hbm:s3], $0xF7A  }
0x26: {  	[smem:$0x3FA0] =	sst s1;
	(tag) =	ssettag s2;
	_ =	strace s9  }
0x27: {  	s1 =	sld [smem:$0x3FB0]  }
0x28: {  	s2 =	sld [smem:$0x3FB1]  }
0x29: {  	s4 =	sld [smem:$0x3FB3]  }
0x2a: {  	p0 =	seq.s32 s5, $0x0;
	s5 =	sld [smem:$0x3FB4]  }
0x2b: {  	s6 =	sld [smem:$0x3FB5]  }
0x2c: {  	s7 =	sld [smem:$0x3FB6]  }
0x2d: {  	s3 =	simm.s32 $0x108;
	s8 =	sld [smem:$0x3FB7]  }
0x2e: {  	s3 =	simm.s32 @!p0 $0x1082;
	s9 =	sld [smem:$0x3FB8]  }
0x2f: {  	lr =	sadd.s32 s0, s3;
	s0 =	sld [smem:$0x3FAF]  }
0x30: {  	s3 =	sld [smem:$0x3FB2]  }
0x31: {  	[smem:$0x3FBB] =	sst s10  }
0x32: {  	s10 =	sld [smem:$0x3FB9];
	_ =	sdelay $0x3  }
0x33: {  	p0 =	seq.s32 s10, $0x1;
	s10 =	sld [smem:$0x3FBB];
	_ =	sdelay $0x3  }
0x34: {  	[smem:$0x3FBB] =	sst s10  }
0x35: {  	s10 =	sld [smem:$0x3FBA];
	_ =	sdelay $0x3  }
0x36: {  	p1 =	seq.s32 s10, $0x1;
	s10 =	sld [smem:$0x3FBB];
	_ =	sdelay $0x3  }
0x37: {  	[smem:$0x3FBB] =	sst s10  }
0x38: {  	s10 =	sld [smem:$0x3FBC]  }
0x39: {  	_ = 	snop;
	(pc) =	sbr.ind lr, $3  }
0x3a: {  	_ = 	snop  }
0x3b: {  	_ = 	snop  }
0x3c: {  	p2 =	seq.s32 s10, $0x1;
	s10 =	sld [smem:$0x3FBB]  }
0x3d: {  	_ =	shalt  }
0x3e: {  	_ =	shalt  }
0x3f: {  	_ =	shalt  }
0x40: {  	_ =	shalt  }
0x41: {  	_ =	shalt  }
0x42: {  	_ =	shalt  }
0x43: {  	_ =	shalt  }
0x44: {  	_ =	shalt  }
0x45: {  	_ =	shalt  }
0x46: {  	_ =	shalt  }
0x47: {  	_ =	shalt  }
0x48: {  	_ =	shalt  }
0x49: {  	_ =	shalt  }
0x4a: {  	_ =	shalt  }
0x4b: {  	_ =	shalt  }
0x4c: {  	_ =	shalt  }
0x4d: {  	_ =	shalt  }
0x4e: {  	_ =	shalt  }
0x4f: {  	_ =	shalt  }
0x50: {  	_ =	shalt  }
0x51: {  	_ =	shalt  }
0x52: {  	_ =	shalt  }
0x53: {  	_ =	shalt  }
0x54: {  	_ =	shalt  }
0x55: {  	_ =	shalt  }
0x56: {  	_ =	shalt  }
0x57: {  	_ =	shalt  }
0x58: {  	_ =	shalt  }
0x59: {  	_ =	shalt  }
0x5a: {  	_ =	shalt  }
0x5b: {  	_ =	shalt  }
0x5c: {  	_ =	shalt  }
0x5d: {  	_ =	shalt  }
0x5e: {  	_ =	shalt  }
0x5f: {  	_ =	shalt  }
0x60: {  	_ =	shalt  }
0x61: {  	_ =	shalt  }
0x62: {  	_ =	shalt  }
0x63: {  	_ =	shalt  }
0x64: {  	_ =	shalt  }
0x65: {  	_ =	shalt  }
0x66: {  	_ =	shalt  }
0x67: {  	_ =	shalt  }
0x68: {  	_ =	shalt  }
0x69: {  	_ =	shalt  }
0x6a: {  	_ =	shalt  }
0x6b: {  	_ =	shalt  }
0x6c: {  	_ =	shalt  }
0x6d: {  	_ =	shalt  }
0x6e: {  	_ =	shalt  }
0x6f: {  	_ =	shalt  }
0x70: {  	_ =	shalt  }
0x71: {  	_ =	shalt  }
0x72: {  	_ =	shalt  }
0x73: {  	_ =	shalt  }
0x74: {  	_ =	shalt  }
0x75: {  	_ =	shalt  }
0x76: {  	_ =	shalt  }
0x77: {  	_ =	shalt  }
0x78: {  	_ =	shalt  }
0x79: {  	_ =	shalt  }
0x7a: {  	_ =	shalt  }
0x7b: {  	_ =	shalt  }
0x7c: {  	_ =	shalt  }
0x7d: {  	_ =	shalt  }
0x7e: {  	_ =	shalt  }
0x7f: {  	_ =	shalt  }
0x80: {  	_ =	shalt  }
0x81: {  	_ =	shalt  }
0x82: {  	_ =	shalt  }
0x83: {  	_ =	shalt  }
0x84: {  	_ =	shalt  }
0x85: {  	_ =	shalt  }
0x86: {  	_ =	shalt  }
0x87: {  	_ =	shalt  }
.Lfunc_end0:
.L_simem_size_0:
called_computation.1_lowered:
.L_overlay_start_0:
0x88: {  	s2 =	sld [smem:$0x3FD9]  }
0x89: {  	s3 =	sld [smem:$0x3FFE];
	_ =	sdelay $0x1  }
0x8a: {  	s1 =	srdreg.scid  }
0x8b: {  	s0 =	sand.u32 $0x1, s1  }
0x8c: {  	s16 =	sshll.u32 s0, $0xA;
	s2 =	sadd.s32 s3, s2  }
0x8d: {  	s2 =	sadd.s32 s2, s16  }
0x8e: {  	[smem:$0x3FC7] =	sst s2  }
0x8f: {  	_ = 	snop  }
0x90: {  	(tm) =	ssettm $0x1  }
0x91: {  	s17 =	sld [smem:$0x3FFB];
	_ =	sdelay $0x3  }
0x92: {  	_ =	strace s17  }
0x93: {  	s2 =	sld [smem:$0x3FFC];
	_ =	sdelay $0x3  }
0x94: {  	_ =	strace s2  }
0x95: {  	s2 =	sld [smem:$0x3FFD];
	_ =	sdelay $0x3  }
0x96: {  	_ =	strace s2  }
0x97: {  	_ =	strace $0x8FFFFFFF  }
0x98: {  	s18 =	sld [smem:$0x3FDB];
	_ =	sdelay $0x1  }
0x99: {  	s19 =	simm.s32 $_scs_section_size  }
0x9a: {  	s4 =	simm.s32 $_size__tile_overlayer_lowered;
	s5 =	simm.s32 $_tile_overlayer_lowered  }
0x9b: {  	s22 =	simm.s32 $0x1BFF;
	s21 =	sshll.u32 s5, $0x1;
	s2 =	sadd.s32 s19, s18  }
0x9c: {  	s6 =	simm.s32 $0x0;
	s20 =	sshll.u32 s4, $0x1;
	s4 =	sadd.s32 s21, s2  }
0x9d: {  	[timem:s6], [sflag:s22] =	dma.local [hbm:s4], s20  }
0x9e: {  	_ =	swait.ge [sflag:s22], s20  }
0x9f: {  	s3 =	ssub.s32 $0x0, s20;
	[sflag:s22] =	ssyncset.done $0x0  }
0xa0: {  	[sflag:s22] =	ssyncadd.s32 s3;
	_ =	sdelay $0x1  }
0xa1: {  	s23 =	simm.s32 $0x1B8B  }
0xa2: {  	_ =	swait.ge [sflag:s23], $0x1  }
0xa3: {  	[sflag:s23] =	ssyncset.done $0x0  }
0xa4: {  	s25 =	simm.s32 $0x1B8E;
	s24 =	sld [smem:$0x3FFE];
	[sflag:s23] =	ssyncadd.s32 $0xFFFFFFFF  }
0xa5: {  	s26 =	simm.s32 $execute0_lowered;
	[smem:$0x3FD2] =	sst s25  }
0xa6: {  	s4 =	sshll.u32 s26, $0x1;
	_ =	strace $0x80000046;
	[dreg:$0x1] =	wrdreg $0xFFFFFFFF  }
0xa7: {  	s28 =	simm.s32 $_size_execute0_lowered;
	s2 =	sadd.s32 s2, s4;
	[dreg:$0x0] =	wrdreg $0x0  }
0xa8: {  	s4 =	sshll.u32 s28, $0x1;
	[dreg:$0x2] =	wrdreg s2  }
0xa9: {  	[dreg:$0x3] =	wrdreg s4  }
0xaa: {  	[dreg:$0x4] =	wrdreg $0xC0  }
0xab: {  	_ =	task [dreg:s6], $0x5FFFF  }
0xac: {  	[dreg:$0x1] =	wrdreg $0xFFFFFFFF  }
0xad: {  	[dreg:$0x0] =	wrdreg $0x60  }
0xae: {  	[dreg:$0x2] =	wrdreg s24  }
0xaf: {  	[dreg:$0x3] =	wrdreg $0x9  }
0xb0: {  	_ =	task.clear_ibuf [dreg:s6], $0x4FFFF;
	_ =	strace $0x90000046  }
0xb1: {  	s29 =	simm.s32 $0x9;
	_ =	strace $0x80000048  }
0xb2: {  	_ =	swait.ge [sflag:s29], $0x1  }
0xb3: {  	[sflag:s29] =	ssyncadd.s32 $0xFFFFFFFF  }
0xb4: {  	_ =	strace $0x90000048  }
0xb5: {  	_ =	sfence  }
0xb6: {  	s30 =	sld [smem:$0x0];
	_ =	sdelay $0x2  }
0xb7: {  	s31 =	sshll.u32 s1, $0xD;
	s1 =	sshrl.u32 s1, $0x2  }
0xb8: {  	s3 =	sand.u32 $0x4000, s31;
	s1 =	sadd.s32 s1, s30  }
0xb9: {  	s0 =	sor.u32 s3, s0;
	s1 =	sshll.u32 s1, $0x11  }
0xba: {  	s0 =	sor.u32 s1, s0  }
0xbb: {  	s0 =	sadd.s32 $0x8F2B, s0  }
0xbc: {  	[sflag:s0] =	ssyncadd.remote.s32 $0x1  }
0xbd: {  	_ =	sfence.sel $0xFFFF  }
0xbe: {  	[dreg:$0x0] =	wrdreg $0xFFFFFFFF;
	(pc) =	sbr.abs _section_cstart, $3  }
0xbf: {  	[dreg:$0x1] =	wrdreg $0xFFFFFFFF  }
0xc0: {  	_ =	task.clear_ibuf [dreg:s6], $0x2FFFF;
	_ =	strace $0x9FFFFFFF  }
0xc1: {  	(tm) =	ssettm $0x7FFFFFFF  }
tec
execute0_lowered:
.L_overlay_start_1:
0x0: {  	(tag) =	ssettag $0x1  }
0x1: {  	s1 =	srdreg.scid;
	s0 =	stileid.u32  }
0x2: {  	s30 =	sand.u32 $0x1, s1;
	s0 =	sshll.u32 s0, $0x1  }
0x3: {  	s9 =	sor.u32 s30, s0  }
0x4: {  	s10 =	rddreg [dreg:$0x0];
	s2 =	simm.s32 $0x0;
	s28 =	smul.u32 $0x1400, s9  }
0x5: {  	s4 =	simm.s32 $0x80;
	s5 =	simm.s32 $0x200;
	s3 =	smul.u32 $0x50000, s9  }
0x6: {  	[smem:$0x7FF] =	sst s2;
	s29 =	sadd.s32 $0x830, s10;
	s13 =	sor.u32 $0x200, s28  }
0x7: {  	_ =	strace $0x80000047;
	s3 =	sadd.s32 s3, s29;
	s6 =	sshll.u32 s13, $0x6  }
0x8: {  	[tilespmem:s2], [sflag:$0x1] =	stream.strided.gather [hbm4b:s3+s4], $0x10000, s5, s4, $0x38;
	v63 =	vld [tilespmem:$0x0]  }
0x9: {  	s7 =	simm.s32 $0x10000;
	s8 =	simm.s32 $0x1;
	s6 =	sadd.s32 s6, s29  }
0xa: {  	[tilespmem:s7], [sflag:$0x2] =	stream.strided.gather [hbm4b:s6+s4], $0x10000, s5, s4, $0x38;
	v63 =	vld [tilespmem:$0x0]  }
0xb: {  	s9 =	smul.u32 $0x14000, s9;
	_ =	swait.ge [sflag:s8], $0x10000  }
0xc: {  	s31 =	sadd.s32 $0xA00800, s10;
	[sflag:s8] =	ssyncset.done $0x0  }
0xd: {  	s10 =	simm.s32 $0x3;
	s9 =	sadd.s32 s31, s9;
	[sflag:s8] =	ssyncadd.s32 $0xFFFF0000  }
0xe: {  	[hbm4b:s9+s2] =	stream.linear.scatter [tilespmem:s2], [sflag:$0x3], $0x10000, $0x38;
	v63 =	vld [tilespmem:$0x0]  }
0xf: {  	s16 =	sadd.s32 $0x400, s28;
	_ =	swait.ge [sflag:s10], $0x10000  }
0x10: {  	s11 =	sshll.u32 s16, $0x6;
	[sflag:s10] =	ssyncset.done $0x0  }
0x11: {  	s12 =	simm.s32 $0x2;
	s11 =	sadd.s32 s11, s29;
	[sflag:s10] =	ssyncadd.s32 $0xFFFF0000  }
0x12: {  	[tilespmem:s2], [sflag:$0x1] =	stream.strided.gather [hbm4b:s11+s4], $0x10000, s5, s4, $0x38;
	v63 =	vld [tilespmem:$0x0]  }
0x13: {  	_ =	swait.ge [sflag:s12], $0x10000  }
0x14: {  	s13 =	sshll.u32 s13, $0x4;
	[sflag:s12] =	ssyncset.done $0x0  }
0x15: {  	s14 =	sadd.s32 s31, s13;
	s13 =	simm.s32 $0x4;
	[sflag:s12] =	ssyncadd.s32 $0xFFFF0000  }
0x16: {  	[hbm4b:s14+s2] =	stream.linear.scatter [tilespmem:s7], [sflag:$0x4], $0x10000, $0x38;
	v63 =	vld [tilespmem:$0x0]  }
0x17: {  	s18 =	sadd.s32 $0x600, s28;
	_ =	swait.ge [sflag:s13], $0x10000  }
0x18: {  	s15 =	sshll.u32 s18, $0x6;
	[sflag:s13] =	ssyncset.done $0x0  }
0x19: {  	s15 =	sadd.s32 s15, s29;
	[sflag:s13] =	ssyncadd.s32 $0xFFFF0000  }
0x1a: {  	[tilespmem:s7], [sflag:$0x2] =	stream.strided.gather [hbm4b:s15+s4], $0x10000, s5, s4, $0x38;
	v63 =	vld [tilespmem:$0x0]  }
0x1b: {  	_ =	swait.ge [sflag:s8], $0x10000  }
0x1c: {  	s16 =	sshll.u32 s16, $0x4;
	[sflag:s8] =	ssyncset.done $0x0  }
0x1d: {  	s16 =	sadd.s32 s31, s16;
	[sflag:s8] =	ssyncadd.s32 $0xFFFF0000  }
0x1e: {  	[hbm4b:s16+s2] =	stream.linear.scatter [tilespmem:s2], [sflag:$0x3], $0x10000, $0x38;
	v63 =	vld [tilespmem:$0x0]  }
0x1f: {  	s20 =	sadd.s32 $0x800, s28;
	_ =	swait.ge [sflag:s10], $0x10000  }
0x20: {  	s17 =	sshll.u32 s20, $0x6;
	[sflag:s10] =	ssyncset.done $0x0  }
0x21: {  	s17 =	sadd.s32 s17, s29;
	[sflag:s10] =	ssyncadd.s32 $0xFFFF0000  }
0x22: {  	[tilespmem:s2], [sflag:$0x1] =	stream.strided.gather [hbm4b:s17+s4], $0x10000, s5, s4, $0x38;
	v63 =	vld [tilespmem:$0x0]  }
0x23: {  	_ =	swait.ge [sflag:s12], $0x10000  }
0x24: {  	s18 =	sshll.u32 s18, $0x4;
	[sflag:s12] =	ssyncset.done $0x0  }
0x25: {  	s18 =	sadd.s32 s31, s18;
	[sflag:s12] =	ssyncadd.s32 $0xFFFF0000  }
0x26: {  	[hbm4b:s18+s2] =	stream.linear.scatter [tilespmem:s7], [sflag:$0x4], $0x10000, $0x38;
	v63 =	vld [tilespmem:$0x0]  }
0x27: {  	s22 =	sadd.s32 $0xA00, s28;
	_ =	swait.ge [sflag:s13], $0x10000  }
0x28: {  	s19 =	sshll.u32 s22, $0x6;
	[sflag:s13] =	ssyncset.done $0x0  }
0x29: {  	s19 =	sadd.s32 s19, s29;
	[sflag:s13] =	ssyncadd.s32 $0xFFFF0000  }
0x2a: {  	[tilespmem:s7], [sflag:$0x2] =	stream.strided.gather [hbm4b:s19+s4], $0x10000, s5, s4, $0x38;
	v63 =	vld [tilespmem:$0x0]  }
0x2b: {  	_ =	swait.ge [sflag:s8], $0x10000  }
0x2c: {  	s20 =	sshll.u32 s20, $0x4;
	[sflag:s8] =	ssyncset.done $0x0  }
0x2d: {  	s20 =	sadd.s32 s31, s20;
	[sflag:s8] =	ssyncadd.s32 $0xFFFF0000  }
0x2e: {  	[hbm4b:s20+s2] =	stream.linear.scatter [tilespmem:s2], [sflag:$0x3], $0x10000, $0x38;
	v63 =	vld [tilespmem:$0x0]  }
0x2f: {  	s24 =	sadd.s32 $0xC00, s28;
	_ =	swait.ge [sflag:s10], $0x10000  }
0x30: {  	s21 =	sshll.u32 s24, $0x6;
	[sflag:s10] =	ssyncset.done $0x0  }
0x31: {  	s21 =	sadd.s32 s21, s29;
	[sflag:s10] =	ssyncadd.s32 $0xFFFF0000  }
0x32: {  	[tilespmem:s2], [sflag:$0x1] =	stream.strided.gather [hbm4b:s21+s4], $0x10000, s5, s4, $0x38;
	v63 =	vld [tilespmem:$0x0]  }
0x33: {  	_ =	swait.ge [sflag:s12], $0x10000  }
0x34: {  	s22 =	sshll.u32 s22, $0x4;
	[sflag:s12] =	ssyncset.done $0x0  }
0x35: {  	s22 =	sadd.s32 s31, s22;
	[sflag:s12] =	ssyncadd.s32 $0xFFFF0000  }
0x36: {  	[hbm4b:s22+s2] =	stream.linear.scatter [tilespmem:s7], [sflag:$0x4], $0x10000, $0x38;
	v63 =	vld [tilespmem:$0x0]  }
0x37: {  	s26 =	sadd.s32 $0xE00, s28;
	_ =	swait.ge [sflag:s13], $0x10000  }
0x38: {  	s23 =	sshll.u32 s26, $0x6;
	[sflag:s13] =	ssyncset.done $0x0  }
0x39: {  	s23 =	sadd.s32 s23, s29;
	[sflag:s13] =	ssyncadd.s32 $0xFFFF0000  }
0x3a: {  	[tilespmem:s7], [sflag:$0x2] =	stream.strided.gather [hbm4b:s23+s4], $0x10000, s5, s4, $0x38;
	v63 =	vld [tilespmem:$0x0]  }
0x3b: {  	_ =	swait.ge [sflag:s8], $0x10000  }
0x3c: {  	s24 =	sshll.u32 s24, $0x4;
	[sflag:s8] =	ssyncset.done $0x0  }
0x3d: {  	s24 =	sadd.s32 s31, s24;
	[sflag:s8] =	ssyncadd.s32 $0xFFFF0000  }
0x3e: {  	[hbm4b:s24+s2] =	stream.linear.scatter [tilespmem:s2], [sflag:$0x3], $0x10000, $0x38;
	v63 =	vld [tilespmem:$0x0]  }
0x3f: {  	s1 =	sadd.s32 $0x1000, s28;
	_ =	swait.ge [sflag:s10], $0x10000  }
0x40: {  	s25 =	sshll.u32 s1, $0x6;
	[sflag:s10] =	ssyncset.done $0x0  }
0x41: {  	s25 =	sadd.s32 s25, s29;
	[sflag:s10] =	ssyncadd.s32 $0xFFFF0000  }
0x42: {  	[tilespmem:s2], [sflag:$0x1] =	stream.strided.gather [hbm4b:s25+s4], $0x10000, s5, s4, $0x38;
	v63 =	vld [tilespmem:$0x0]  }
0x43: {  	_ =	swait.ge [sflag:s12], $0x10000  }
0x44: {  	s26 =	sshll.u32 s26, $0x4;
	[sflag:s12] =	ssyncset.done $0x0  }
0x45: {  	s26 =	sadd.s32 s31, s26;
	[sflag:s12] =	ssyncadd.s32 $0xFFFF0000  }
0x46: {  	[hbm4b:s26+s2] =	stream.linear.scatter [tilespmem:s7], [sflag:$0x4], $0x10000, $0x38;
	v63 =	vld [tilespmem:$0x0]  }
0x47: {  	s0 =	sadd.s32 $0x1200, s28;
	_ =	swait.ge [sflag:s13], $0x10000  }
0x48: {  	s28 =	sshll.u32 s0, $0x6;
	[sflag:s13] =	ssyncset.done $0x0  }
0x49: {  	s28 =	sadd.s32 s28, s29;
	[sflag:s13] =	ssyncadd.s32 $0xFFFF0000  }
0x4a: {  	[tilespmem:s7], [sflag:$0x2] =	stream.strided.gather [hbm4b:s28+s4], $0x10000, s5, s4, $0x38;
	v63 =	vld [tilespmem:$0x0]  }
0x4b: {  	_ =	swait.ge [sflag:s8], $0x10000  }
0x4c: {  	s1 =	sshll.u32 s1, $0x4;
	[sflag:s8] =	ssyncset.done $0x0  }
0x4d: {  	s29 =	sadd.s32 s31, s1;
	s1 =	ssub.s32 $0x2, s30;
	[sflag:s8] =	ssyncadd.s32 $0xFFFF0000  }
0x4e: {  	[hbm4b:s29+s2] =	stream.linear.scatter [tilespmem:s2], [sflag:$0x3], $0x10000, $0x38;
	v63 =	vld [tilespmem:$0x0]  }
0x4f: {  	s30 =	sshrl.u32 s1, $0x1;
	_ =	swait.ge [sflag:s10], $0x10000  }
0x50: {  	s1 =	ssub.s32 s1, s30;
	[sflag:s10] =	ssyncset.done $0x0  }
0x51: {  	s1 =	smax.u32 s1, $0x1;
	[sflag:s10] =	ssyncadd.s32 $0xFFFF0000  }
0x52: {  	p0 =	sne.s32 s1, $0x1;
	_ =	swait.ge [sflag:s12], $0x10000  }
.Ltmp0:
0x53: {  	s0 =	sshll.u32 s0, $0x4;
	[sflag:s12] =	ssyncset.done $0x0;
	(pc) =	sbr.rel @!p0 .LBB2_2-.Ltmp0, $4  }
0x54: {  	s30 =	sadd.s32 s31, s0;
	[sflag:s12] =	ssyncadd.s32 $0xFFFF0000  }
0x55: {  	[hbm4b:s30+s2] =	stream.linear.scatter [tilespmem:s7], [sflag:$0x4], $0x10000, $0x38;
	v63 =	vld [tilespmem:$0x0]  }
0x56: {  	_ =	swait.ge [sflag:s13], $0x10000  }
0x57: {  	s31 =	sadd.s32 $0xFFFFFFFF, s1;
	[sflag:s13] =	ssyncset.done $0x0  }
.LBB2_1:
0x58: {  	p0 =	sne.s32 s31, $0x1;
	s31 =	sadd.s32 $0xFFFFFFFF, s31;
	[sflag:s13] =	ssyncadd.s32 $0xFFFF0000  }
0x59: {  	[tilespmem:s2], [sflag:$0x1] =	stream.strided.gather [hbm4b:s3+s4], $0x10000, s5, s4, $0x38;
	v63 =	vld [tilespmem:$0x0]  }
0x5a: {  	_ = 	snop  }
0x5b: {  	[tilespmem:s7], [sflag:$0x2] =	stream.strided.gather [hbm4b:s6+s4], $0x10000, s5, s4, $0x38;
	v63 =	vld [tilespmem:$0x0]  }
0x5c: {  	_ =	swait.ge [sflag:s8], $0x10000  }
0x5d: {  	[sflag:s8] =	ssyncset.done $0x0  }
0x5e: {  	[sflag:s8] =	ssyncadd.s32 $0xFFFF0000  }
0x5f: {  	[hbm4b:s9+s2] =	stream.linear.scatter [tilespmem:s2], [sflag:$0x3], $0x10000, $0x38;
	v63 =	vld [tilespmem:$0x0]  }
0x60: {  	_ =	swait.ge [sflag:s10], $0x10000  }
0x61: {  	[sflag:s10] =	ssyncset.done $0x0  }
0x62: {  	[sflag:s10] =	ssyncadd.s32 $0xFFFF0000  }
0x63: {  	[tilespmem:s2], [sflag:$0x1] =	stream.strided.gather [hbm4b:s11+s4], $0x10000, s5, s4, $0x38;
	v63 =	vld [tilespmem:$0x0]  }
0x64: {  	_ =	swait.ge [sflag:s12], $0x10000  }
0x65: {  	[sflag:s12] =	ssyncset.done $0x0  }
0x66: {  	[sflag:s12] =	ssyncadd.s32 $0xFFFF0000  }
0x67: {  	[hbm4b:s14+s2] =	stream.linear.scatter [tilespmem:s7], [sflag:$0x4], $0x10000, $0x38;
	v63 =	vld [tilespmem:$0x0]  }
0x68: {  	_ =	swait.ge [sflag:s13], $0x10000  }
0x69: {  	[sflag:s13] =	ssyncset.done $0x0  }
0x6a: {  	[sflag:s13] =	ssyncadd.s32 $0xFFFF0000  }
0x6b: {  	[tilespmem:s7], [sflag:$0x2] =	stream.strided.gather [hbm4b:s15+s4], $0x10000, s5, s4, $0x38;
	v63 =	vld [tilespmem:$0x0]  }
0x6c: {  	_ =	swait.ge [sflag:s8], $0x10000  }
0x6d: {  	[sflag:s8] =	ssyncset.done $0x0  }
0x6e: {  	[sflag:s8] =	ssyncadd.s32 $0xFFFF0000  }
0x6f: {  	[hbm4b:s16+s2] =	stream.linear.scatter [tilespmem:s2], [sflag:$0x3], $0x10000, $0x38;
	v63 =	vld [tilespmem:$0x0]  }
0x70: {  	_ =	swait.ge [sflag:s10], $0x10000  }
0x71: {  	[sflag:s10] =	ssyncset.done $0x0  }
0x72: {  	[sflag:s10] =	ssyncadd.s32 $0xFFFF0000  }
0x73: {  	[tilespmem:s2], [sflag:$0x1] =	stream.strided.gather [hbm4b:s17+s4], $0x10000, s5, s4, $0x38;
	v63 =	vld [tilespmem:$0x0]  }
0x74: {  	_ =	swait.ge [sflag:s12], $0x10000  }
0x75: {  	[sflag:s12] =	ssyncset.done $0x0  }
0x76: {  	[sflag:s12] =	ssyncadd.s32 $0xFFFF0000  }
0x77: {  	[hbm4b:s18+s2] =	stream.linear.scatter [tilespmem:s7], [sflag:$0x4], $0x10000, $0x38;
	v63 =	vld [tilespmem:$0x0]  }
0x78: {  	_ =	swait.ge [sflag:s13], $0x10000  }
0x79: {  	[sflag:s13] =	ssyncset.done $0x0  }
0x7a: {  	[sflag:s13] =	ssyncadd.s32 $0xFFFF0000  }
0x7b: {  	[tilespmem:s7], [sflag:$0x2] =	stream.strided.gather [hbm4b:s19+s4], $0x10000, s5, s4, $0x38;
	v63 =	vld [tilespmem:$0x0]  }
0x7c: {  	_ =	swait.ge [sflag:s8], $0x10000  }
0x7d: {  	[sflag:s8] =	ssyncset.done $0x0  }
0x7e: {  	[sflag:s8] =	ssyncadd.s32 $0xFFFF0000  }
0x7f: {  	[hbm4b:s20+s2] =	stream.linear.scatter [tilespmem:s2], [sflag:$0x3], $0x10000, $0x38;
	v63 =	vld [tilespmem:$0x0]  }
0x80: {  	_ =	swait.ge [sflag:s10], $0x10000  }
0x81: {  	[sflag:s10] =	ssyncset.done $0x0  }
0x82: {  	[sflag:s10] =	ssyncadd.s32 $0xFFFF0000  }
0x83: {  	[tilespmem:s2], [sflag:$0x1] =	stream.strided.gather [hbm4b:s21+s4], $0x10000, s5, s4, $0x38;
	v63 =	vld [tilespmem:$0x0]  }
0x84: {  	_ =	swait.ge [sflag:s12], $0x10000  }
0x85: {  	[sflag:s12] =	ssyncset.done $0x0  }
0x86: {  	[sflag:s12] =	ssyncadd.s32 $0xFFFF0000  }
0x87: {  	[hbm4b:s22+s2] =	stream.linear.scatter [tilespmem:s7], [sflag:$0x4], $0x10000, $0x38;
	v63 =	vld [tilespmem:$0x0]  }
0x88: {  	_ =	swait.ge [sflag:s13], $0x10000  }
0x89: {  	[sflag:s13] =	ssyncset.done $0x0  }
0x8a: {  	[sflag:s13] =	ssyncadd.s32 $0xFFFF0000  }
0x8b: {  	[tilespmem:s7], [sflag:$0x2] =	stream.strided.gather [hbm4b:s23+s4], $0x10000, s5, s4, $0x38;
	v63 =	vld [tilespmem:$0x0]  }
0x8c: {  	_ =	swait.ge [sflag:s8], $0x10000  }
0x8d: {  	[sflag:s8] =	ssyncset.done $0x0  }
0x8e: {  	[sflag:s8] =	ssyncadd.s32 $0xFFFF0000  }
0x8f: {  	[hbm4b:s24+s2] =	stream.linear.scatter [tilespmem:s2], [sflag:$0x3], $0x10000, $0x38;
	v63 =	vld [tilespmem:$0x0]  }
0x90: {  	_ =	swait.ge [sflag:s10], $0x10000  }
0x91: {  	[sflag:s10] =	ssyncset.done $0x0  }
0x92: {  	[sflag:s10] =	ssyncadd.s32 $0xFFFF0000  }
0x93: {  	[tilespmem:s2], [sflag:$0x1] =	stream.strided.gather [hbm4b:s25+s4], $0x10000, s5, s4, $0x38;
	v63 =	vld [tilespmem:$0x0]  }
0x94: {  	_ =	swait.ge [sflag:s12], $0x10000  }
0x95: {  	[sflag:s12] =	ssyncset.done $0x0  }
0x96: {  	[sflag:s12] =	ssyncadd.s32 $0xFFFF0000  }
0x97: {  	[hbm4b:s26+s2] =	stream.linear.scatter [tilespmem:s7], [sflag:$0x4], $0x10000, $0x38;
	v63 =	vld [tilespmem:$0x0]  }
0x98: {  	_ =	swait.ge [sflag:s13], $0x10000  }
0x99: {  	[sflag:s13] =	ssyncset.done $0x0  }
0x9a: {  	[sflag:s13] =	ssyncadd.s32 $0xFFFF0000  }
0x9b: {  	[tilespmem:s7], [sflag:$0x2] =	stream.strided.gather [hbm4b:s28+s4], $0x10000, s5, s4, $0x38;
	v63 =	vld [tilespmem:$0x0]  }
0x9c: {  	_ =	swait.ge [sflag:s8], $0x10000  }
0x9d: {  	[sflag:s8] =	ssyncset.done $0x0  }
0x9e: {  	[sflag:s8] =	ssyncadd.s32 $0xFFFF0000  }
0x9f: {  	[hbm4b:s29+s2] =	stream.linear.scatter [tilespmem:s2], [sflag:$0x3], $0x10000, $0x38;
	v63 =	vld [tilespmem:$0x0]  }
0xa0: {  	_ =	swait.ge [sflag:s10], $0x10000  }
0xa1: {  	[sflag:s10] =	ssyncset.done $0x0  }
0xa2: {  	[sflag:s10] =	ssyncadd.s32 $0xFFFF0000  }
0xa3: {  	_ =	swait.ge [sflag:s12], $0x10000  }
.Ltmp1:
0xa4: {  	[sflag:s12] =	ssyncset.done $0x0;
	(pc) =	sbr.rel @p0 .LBB2_1-.Ltmp1, $4  }
0xa5: {  	[sflag:s12] =	ssyncadd.s32 $0xFFFF0000  }
0xa6: {  	[hbm4b:s30+s2] =	stream.linear.scatter [tilespmem:s7], [sflag:$0x4], $0x10000, $0x38;
	v63 =	vld [tilespmem:$0x0]  }
0xa7: {  	_ =	swait.ge [sflag:s13], $0x10000  }
0xa8: {  	[sflag:s13] =	ssyncset.done $0x0  }
.LBB2_2:
0xa9: {  	[sflag:s13] =	ssyncadd.s32 $0xFFFF0000  }
0xaa: {  	_ =	sfence.sel $0x180000  }
0xab: {  	[bflag:$0x0] =	sbarrier.arrive $0xFFFF  }
0xac: {  	_ =	strace $0x90000047  }
0xad: {  	s0 =	stileid.u32;
	[bflag:$0x2] =	sbarrier.arrive $0xFFFF  }
0xae: {  	p0 =	sne.s32 s0, $0x0;
	s0 =	rddreg [dreg:$0x1]  }
0xaf: {  	s0 =	sadd.s32 @!p0 $0x100000, s0  }
0xb0: {  	[sflag:s0] =	ssyncadd.tile.s32 @!p0 $0x1;
	_ =	shalt  }
.Lfunc_end2:
_tile_overlayer_lowered:
.L_overlay_start_2:
0xb1: {  	(tag) =	ssettag $0x2  }
0xb2: {  	s0 =	rddreg [dreg:$0x0];
	s2 =	stileid.u32  }
0xb3: {  	s1 =	rddreg [dreg:$0x1];
	p0 =	sne.s32 s2, $0x0  }
0xb4: {  	s3 =	rddreg [dreg:$0x2];
	[bflag:$0x3] =	sbarrier.arrive $0xFFFF;
	s2 =	simm.s32 @!p0 $0x1C05  }
0xb5: {  	[timem:s3], [sflag:s2] =	dma.local @!p0 [hbm:s0], s1  }
0xb6: {  	s0 =	simm.s32 @!p0 $0x5  }
0xb7: {  	_ =	swait.ge @!p0 [sflag:s0], s1  }
0xb8: {  	s1 =	ssub.s32 @!p0 $0x0, s1;
	[sflag:s0] =	ssyncset.done @!p0 $0x0  }
0xb9: {  	[sflag:s0] =	ssyncadd.s32 @!p0 s1  }
0xba: {  	[bflag:$0x3] =	sbarrier.arrive $0xFFFF  }
0xbb: {  	_ =	shalt  }

// kernel: sparse-core-data-format-call.cloned.1.call-start
scs
called_computation_lowered:
.L_overlay_start_0:
0x0: {  	s2 =	sld [smem:$0x3FD9]  }
0x1: {  	s3 =	sld [smem:$0x3FFE];
	_ =	sdelay $0x1  }
0x2: {  	s1 =	srdreg.scid  }
0x3: {  	s0 =	sand.u32 $0x1, s1  }
0x4: {  	s18 =	sshll.u32 s0, $0xA;
	s2 =	sadd.s32 s3, s2  }
0x5: {  	s2 =	sadd.s32 s2, s18  }
0x6: {  	[smem:$0x3FC7] =	sst s2  }
0x7: {  	_ = 	snop  }
0x8: {  	s2 =	sld [smem:$0x3FD0];
	(tm) =	ssettm $0x1  }
0x9: {  	s19 =	sld [smem:$0x3FFB];
	_ =	sdelay $0x3  }
0xa: {  	_ =	strace s19  }
0xb: {  	s3 =	sld [smem:$0x3FFC];
	_ =	sdelay $0x3  }
0xc: {  	_ =	strace s3  }
0xd: {  	s3 =	sld [smem:$0x3FFD];
	_ =	sdelay $0x3  }
0xe: {  	_ =	strace s3  }
0xf: {  	_ =	strace $0x8FFFFFFF  }
0x10: {  	s20 =	sld [smem:$0x3FDB];
	_ =	sdelay $0x1  }
0x11: {  	s4 =	simm.s32 $_scs_section_size  }
0x12: {  	s5 =	simm.s32 $_size__tile_overlayer_lowered;
	s6 =	simm.s32 $_tile_overlayer_lowered  }
0x13: {  	s23 =	simm.s32 $0x1BFF;
	s22 =	sshll.u32 s6, $0x1;
	s3 =	sadd.s32 s4, s20  }
0x14: {  	s7 =	simm.s32 $0x0;
	s21 =	sshll.u32 s5, $0x1;
	s5 =	sadd.s32 s22, s3  }
0x15: {  	[timem:s7], [sflag:s23] =	dma.local [hbm:s5], s21  }
0x16: {  	_ =	swait.ge [sflag:s23], s21  }
0x17: {  	s4 =	ssub.s32 $0x0, s21;
	[sflag:s23] =	ssyncset.done $0x0  }
0x18: {  	[sflag:s23] =	ssyncadd.s32 s4;
	_ =	sdelay $0x1  }
0x19: {  	s24 =	simm.s32 $0x1B8B  }
0x1a: {  	_ =	swait.ge [sflag:s24], $0x1  }
0x1b: {  	[sflag:s24] =	ssyncset.done $0x0  }
0x1c: {  	s26 =	simm.s32 $0x1B8E;
	s25 =	sld [smem:$0x3FFE];
	[sflag:s24] =	ssyncadd.s32 $0xFFFFFFFF  }
0x1d: {  	s27 =	simm.s32 $execute0_lowered;
	[smem:$0x3FD2] =	sst s26  }
0x1e: {  	s5 =	sshll.u32 s27, $0x1;
	_ =	strace $0x80000049;
	[dreg:$0x1] =	wrdreg $0xFFFFFFFF  }
0x1f: {  	s28 =	simm.s32 $_size_execute0_lowered;
	s3 =	sadd.s32 s3, s5;
	[dreg:$0x0] =	wrdreg $0x0  }
0x20: {  	s5 =	sshll.u32 s28, $0x1;
	[dreg:$0x2] =	wrdreg s3  }
0x21: {  	[dreg:$0x3] =	wrdreg s5  }
0x22: {  	[dreg:$0x4] =	wrdreg $0xC0  }
0x23: {  	_ =	task [dreg:s7], $0x5FFFF  }
0x24: {  	[dreg:$0x1] =	wrdreg $0xFFFFFFFF  }
0x25: {  	[dreg:$0x0] =	wrdreg $0x60  }
0x26: {  	[dreg:$0x2] =	wrdreg s25  }
0x27: {  	[dreg:$0x3] =	wrdreg s2  }
0x28: {  	[dreg:$0x4] =	wrdreg $0x9  }
0x29: {  	_ =	task.clear_ibuf [dreg:s7], $0x5FFFF;
	_ =	strace $0x90000049  }
0x2a: {  	s29 =	simm.s32 $0x9;
	_ =	strace $0x8000004B  }
0x2b: {  	_ =	swait.ge [sflag:s29], $0x1  }
0x2c: {  	[sflag:s29] =	ssyncadd.s32 $0xFFFFFFFF  }
0x2d: {  	_ =	strace $0x9000004B  }
0x2e: {  	_ =	sfence  }
0x2f: {  	s30 =	sld [smem:$0x0];
	_ =	sdelay $0x2  }
0x30: {  	s31 =	sshll.u32 s1, $0xD;
	s1 =	sshrl.u32 s1, $0x2  }
0x31: {  	s3 =	sand.u32 $0x4000, s31;
	s1 =	sadd.s32 s1, s30  }
0x32: {  	s0 =	sor.u32 s3, s0;
	s1 =	sshll.u32 s1, $0x11  }
0x33: {  	s0 =	sor.u32 s1, s0  }
0x34: {  	s0 =	sadd.s32 $0x8F2B, s0  }
0x35: {  	[sflag:s0] =	ssyncadd.remote.s32 $0x1  }
0x36: {  	_ =	sfence.sel $0xFFFF  }
0x37: {  	[dreg:$0x0] =	wrdreg $0xFFFFFFFF;
	(pc) =	sbr.abs _section_cstart, $3  }
0x38: {  	[dreg:$0x1] =	wrdreg $0xFFFFFFFF  }
0x39: {  	_ =	task.clear_ibuf [dreg:s7], $0x2FFFF;
	_ =	strace $0x9FFFFFFF  }
0x3a: {  	(tm) =	ssettm $0x7FFFFFFF  }
0x3b: {  	_ =	shalt  }
tec
execute0_lowered:
.L_overlay_start_1:
0x0: {  	(tag) =	ssettag $0x1  }
0x1: {  	s0 =	srdreg.scid;
	s7 =	rddreg [dreg:$0x0]  }
0x2: {  	s2 =	rddreg [dreg:$0x1];
	s8 =	simm.s32 $0x1;
	s1 =	sshll.u32 s0, $0x4  }
0x3: {  	s9 =	simm.s32 $0x2;
	s0 =	stileid.u32;
	s1 =	sand.u32 $0x10, s1  }
0x4: {  	s14 =	simm.s32 $0x0;
	s13 =	simm.s32 $0x0;
	s1 =	sor.u32 s0, s1  }
0x5: {  	s11 =	simm.s32 $0x0;
	s4 =	sadd.s32 $0xA00800, s7;
	s3 =	sshll.u32 s1, $0x7  }
0x6: {  	s12 =	simm.s32 $0x0;
	s7 =	sadd.s32 $0xB40800, s7;
	s6 =	ssub.s32 $0x14000, s3  }
.Ltmp0:
0x7: {  	s1 =	rddreg [dreg:$0x2];
	s5 =	sand.u32 $0xF80, s6;
	(pc) =	sbr.rel .LBB1_1-.Ltmp0, $4  }
0x8: {  	_ =	strace $0x8000004A;
	s10 =	smov.u32 s3;
	p0 =	sne.s32 s5, $0x0  }
0x9: {  	s6 =	sshrl.u32 s6, $0xC;
	s5 =	simm.s32 $0x1;
	s8 =	simm.s32 @!p0 $0x0  }
0xa: {  	[sflag:s5] =	ssyncpa.u1 $0x0;
	p0 =	por $0x0, $0x0;
	s6 =	sadd.s32 s8, s6  }
0xb: {  	[sflag:s9] =	ssyncpa.u1 $0x0;
	s9 =	simm.s32 $0xA0000;
	s8 =	sadd.s32 $0x1, s6  }
.LBB1_7:
0xc: {  	s15 =	sadd.s32 $0x1000, s10  }
0xd: {  	s13 =	sadd.s32 $0x2, s11;
	s17 =	smov.u32 s11;
	p2 =	sgt.s32 s15, $0x13FFF  }
0xe: {  	s17 =	smov.u32 @p2 s13  }
0xf: {  	s15 =	smov.u32 @p2 s3;
	p2 =	sgt.s32 s17, $0x1  }
0x10: {  	s17 =	simm.s32 @p2 $0x0;
	p2 =	sne.s32 s12, s8  }
.Ltmp1:
0x11: {  	p1 =	slt.u32 s12, $0x2;
	(pc) =	sbr.rel @!p2 .LBB1_8-.Ltmp1, $4  }
0x12: {  	s16 =	simm.s32 @!p1 $0x2  }
0x13: {  	s14 =	smov.u32 s10;
	p0 =	por !p0, !p0;
	_ =	swait.ge @!p1 [sflag:s16], $0x4000  }
0x14: {  	s13 =	smov.u32 s11;
	[sflag:s16] =	ssyncset.done @!p1 $0x0;
	s10 =	smov.u32 s15  }
0x15: {  	s12 =	sadd.s32 $0x1, s12;
	[sflag:s16] =	ssyncadd.s32 @!p1 $0xFFFFC000;
	s11 =	smov.u32 s17  }
.LBB1_1:
0x16: {  	p1 =	sge.u32 s12, s6  }
0x17: {  	s15 =	sand.u32 @!p1 $0x1FFFFFF, s10  }
0x18: {  	s16 =	smulhi.u32 @!p1 $0xCCCCCD, s15;
	_ =	sdelay $0x1  }
0x19: {  	s16 =	sshrl.u32 @!p1 s16, $0x8  }
0x1a: {  	s16 =	smul.u32 @!p1 $0x14000, s16  }
0x1b: {  	s17 =	sxor.u32 @!p1 $0xFFFFFFFF, s12;
	s18 =	smul.u32 @!p1 $0x140000, s11  }
0x1c: {  	s17 =	sshll.u32 @!p1 s17, $0xE;
	s15 =	ssub.s32 @!p1 s15, s16  }
0x1d: {  	s16 =	sand.u32 @!p1 $0x4000, s17;
	s17 =	sadd.s32 @!p1 s4, s18;
	s15 =	sshll.u32 @!p1 s15, $0x4  }
0x1e: {  	s19 =	simm.s32 @!p1 $0x40;
	s20 =	simm.s32 @!p1 $0x80;
	s17 =	sadd.s32 @!p1 s15, s17  }
0x1f: {  	[tilespmem:s16], [sflag:$0x1] =	stream.strided.gather @!p1 [hbm4b:s17+s19], $0x2000, s20, s19, $0x38;
	[tilespmem:$0x10100] =	vst v63  }
0x20: {  	s17 =	sadd.s32 @!p1 s18, s7  }
0x21: {  	s31 =	sadd.s32 $0xFFFFFFFF, s12;
	s16 =	sor.u32 @!p1 $0x2000, s16;
	s15 =	sadd.s32 @!p1 s15, s17  }
0x22: {  	[tilespmem:s16], [sflag:$0x1] =	stream.strided.gather @!p1 [hbm4b:s15+s19], $0x2000, s20, s19, $0x38;
	[tilespmem:$0x10100] =	vst v63  }
0x23: {  	p1 =	sge.u32 s31, s6  }
.Ltmp2:
0x24: {  	_ = 	snop;
	(pc) =	sbr.rel @p1 .LBB1_7-.Ltmp2, $1  }
0x25: {  	_ =	sdelay $0x3  }
0x26: {  	s15 =	simm.s32 $0x1;
	s17 =	sand.u32 $0x1, s12  }
0x27: {  	_ =	swait.ge [sflag:s5], $0x4000;
	s15 =	simm.s32 @!p0 $0x0;
	s17 =	smul.u32 $0x10200, s17  }
0x28: {  	p2 =	por $0x1, $0x1;
	[sflag:s5] =	ssyncset.done $0x0;
	s16 =	smul.u32 $0x10200, s15  }
0x29: {  	s18 =	sshll.u32 s15, $0x10;
	[sflag:s5] =	ssyncadd.s32 $0xFFFFC000;
	s30 =	sshrl.u32 s17, $0x2  }
0x2a: {  	s31 =	sshrl.u32 s18, $0x2;
	s18 =	simm.s32 $0x0;
	s16 =	sshrl.u32 s16, $0x2  }
0x2b: {  	s15 =	sor.u32 $0x8000, s30;
	s17 =	sadd.s32 $0x20, s31;
	s16 =	sor.u32 $0x8000, s16  }
.LBB1_3:
0x2c: {  	s19 =	sshll.u32 s18, $0xD  }
0x2d: {  	s19 =	sand.u32 $0x3FFFE000, s19  }
0x2e: {  	s21 =	sadd.s32 s19, s17  }
0x2f: {  	s31 =	smul.u32 $0x8100, s18;
	v3 =	vld [tilespmem:s21+$0x10]  }
0x30: {  	v1 =	vld [tilespmem:s21+$0xFFFFFFF0]  }
0x31: {  	s18 =	sshra.s32 s31, $0x2;
	v0 =	vld [tilespmem:s21+$0x0]  }
0x32: {  	s18 =	sadd.s32 s18, s16;
	v2 =	vld [tilespmem:s21+$0xFFFFFFE0]  }
0x33: {  	s19 =	sadd.s32 $0x0, s18  }
0x34: {  	p1 =	por p2, p2;
	s20 =	simm.s32 $0x4;
	s21 =	sadd.s32 $0x40, s21;
	[tilespmem:s19+$0x1830 ss:$0x81] =	vst.msk $0xffff, v3  }
.LBB1_4:
0x35: {  	v3 =	vld [tilespmem:s21+$0x10];
	p2 =	sne.s32 s20, $0x1FC;
	[tilespmem:s19+$0x810 ss:$0x81] =	vst.msk $0xffff, v1;
	s22 =	smov.u32 s20;
	s20 =	sadd.s32 $0x4, s20  }
.Ltmp3:
0x36: {  	v1 =	vld [tilespmem:s21+$0xFFFFFFF0];
	[tilespmem:s19+$0x1020 ss:$0x81] =	vst.msk $0xffff, v0;
	(pc) =	sbr.rel @p2 .LBB1_4-.Ltmp3, $4  }
0x37: {  	v0 =	vld [tilespmem:s21+$0x0];
	[tilespmem:s19+$0x0 ss:$0x81] =	vst.msk $0xffff, v2  }
0x38: {  	s19 =	sshra.s32 s22, $0x2;
	v2 =	vld [tilespmem:s21+$0xFFFFFFE0]  }
0x39: {  	s19 =	sadd.s32 s19, s18  }
0x3a: {  	s21 =	sadd.s32 $0x40, s21;
	[tilespmem:s19+$0x1830 ss:$0x81] =	vst.msk $0xffff, v3  }
.Ltmp4:
0x3b: {  	(pc) =	sbr.rel @p1 .LBB1_3-.Ltmp4, $4  }
0x3c: {  	_ = 	snop  }
0x3d: {  	[tilespmem:s19+$0x810 ss:$0x81] =	vst.msk $0xffff, v1  }
0x3e: {  	[tilespmem:s19+$0x1020 ss:$0x81] =	vst.msk $0xffff, v0  }
0x3f: {  	s18 =	simm.s32 $0x1;
	p2 =	por $0x0, $0x0;
	[tilespmem:s19+$0x0 ss:$0x81] =	vst.msk $0xffff, v2  }
0x40: {  	s16 =	sshll.u32 s14, $0x3  }
0x41: {  	s29 =	sand.u32 $0x7F, s14;
	s17 =	sand.u32 $0xFFFFFC00, s16  }
0x42: {  	s16 =	smulhi.u32 $0xCCCCCCCD, s16;
	s14 =	sor.u32 s29, s17  }
0x43: {  	s17 =	smulhi.u32 $0xCCCCCCCD, s14;
	_ =	sdelay $0x1  }
0x44: {  	s13 =	smul.u32 $0xA0000, s13;
	s16 =	sshrl.u32 s16, $0x10;
	s17 =	sshrl.u32 s17, $0x10  }
0x45: {  	s16 =	sand.u32 $0x3F, s16;
	s17 =	smul.u32 $0x14000, s17  }
0x46: {  	s16 =	smul.u32 $0x2800, s16  }
.Ltmp5:
0x47: {  	s14 =	ssub.s32 s14, s17;
	(pc) =	sbr.rel .LBB1_7-.Ltmp5, $4  }
0x48: {  	s13 =	sadd.s32 s2, s13;
	s17 =	sand.u32 $0x7, s14  }
0x49: {  	s13 =	sadd.s32 s16, s13;
	s14 =	sshrl.u32 s14, $0x3;
	s30 =	sshll.u32 s17, $0x12  }
0x4a: {  	s13 =	sadd.s32 s14, s13;
	s31 =	sor.u32 $0x400, s30  }
0x4b: {  	[hbm4b:s13+s31] =	stream.strided.scatter [tilespmem:s15], [sflag:$0x2], $0x4000, s9, s31, $0x20;
	[tilespmem:$0x10100] =	vst v63  }
.LBB1_8:
0x4c: {  	_ =	sfence.sel $0x180000  }
0x4d: {  	s2 =	simm.s32 $0x1;
	[bflag:$0x0] =	sbarrier.arrive $0xFFFF  }
0x4e: {  	s31 =	simm.s32 $0x2;
	[sflag:s2] =	ssyncpa.u1 $0x1  }
0x4f: {  	[sflag:s31] =	ssyncpa.u1 $0x1  }
0x50: {  	p0 =	sne.s32 s0, $0x0;
	_ =	strace $0x9000004A  }
0x51: {  	s0 =	sadd.s32 @!p0 $0x100000, s1;
	[bflag:$0x2] =	sbarrier.arrive $0xFFFF  }
0x52: {  	[sflag:s0] =	ssyncadd.tile.s32 @!p0 $0x1;
	_ =	shalt  }
.Lfunc_end1:
_tile_overlayer_lowered:
.L_overlay_start_2:
0x53: {  	(tag) =	ssettag $0x2  }
0x54: {  	s0 =	rddreg [dreg:$0x0];
	s2 =	stileid.u32  }
0x55: {  	s1 =	rddreg [dreg:$0x1];
	p0 =	sne.s32 s2, $0x0  }
0x56: {  	s3 =	rddreg [dreg:$0x2];
	[bflag:$0x3] =	sbarrier.arrive $0xFFFF;
	s2 =	simm.s32 @!p0 $0x1C01  }
0x57: {  	[timem:s3], [sflag:s2] =	dma.local @!p0 [hbm:s0], s1  }
0x58: {  	s0 =	simm.s32 @!p0 $0x1  }
0x59: {  	_ =	swait.ge @!p0 [sflag:s0], s1  }
0x5a: {  	s1 =	ssub.s32 @!p0 $0x0, s1;
	[sflag:s0] =	ssyncset.done @!p0 $0x0  }
0x5b: {  	[sflag:s0] =	ssyncadd.s32 @!p0 s1  }
0x5c: {  	[bflag:$0x3] =	sbarrier.arrive $0xFFFF  }
0x5d: {  	_ =	shalt  }

</sc_bundles>
